<compile_context>
chip_gen: v7x
topology: tpu7x:2x2x1
jax: 0.10.2.dev20260603
libtpu: 0.0.44.dev20260713+nightly
codegen_flags: <defaults>
</compile_context>

<pallas_src>
import functools

import jax
import jax.numpy as jnp
from jax import lax
from jax.experimental import pallas as pl
from jax.experimental.pallas import tpu as pltpu
from jax.experimental.pallas import tpu_sc as plsc

F32 = jnp.float32
I32 = jnp.int32

_NUM_CORES = 2
_NUM_TILES = 16



def _mm1_body(q_ref, w_ref, o_ref):
    o_ref[...] = jnp.dot(q_ref[...], w_ref[...], preferred_element_type=F32)


def _mm1(qflat, W1):
    M, D = qflat.shape
    BLK = 2000
    return pl.pallas_call(
        _mm1_body,
        grid=(M // BLK,),
        in_specs=[pl.BlockSpec((BLK, D), lambda i: (i, 0)),
                  pl.BlockSpec((D, W1.shape[1]), lambda i: (0, 0))],
        out_specs=pl.BlockSpec((BLK, W1.shape[1]), lambda i: (i, 0)),
        out_shape=jax.ShapeDtypeStruct((M, W1.shape[1]), F32),
    )(qflat, W1)



def _sc1_build(NB, NP, DM, EPT, NG, G, STRIPE):
    mesh = plsc.VectorSubcoreMesh(core_axis_name="c", subcore_axis_name="s",
                                  num_cores=_NUM_CORES, num_subcores=_NUM_TILES)

    @functools.partial(
        pl.kernel,
        out_type=jax.ShapeDtypeStruct((NB, NP, DM), F32),
        mesh=mesh,
        scratch_types=[
            pltpu.VMEM((4, 2, G), I32),
            pltpu.VMEM((4, 2, G), I32),
            pltpu.VMEM((G, DM), F32),
            pltpu.VMEM((G, DM), F32),
            pltpu.VMEM_SHARED((NP, DM), F32),
            pltpu.SemaphoreType.DMA,
            pltpu.SemaphoreType.DMA,
            pltpu.SemaphoreType.DMA,
            pltpu.SemaphoreType.DMA,
        ],
    )
    def k(h_hbm, sd_hbm, z_hbm, out_hbm,
          sdA, sdB, rowsA, rowsB, acc, gA, gB, sA, sB):
        c = lax.axis_index("c")
        s = lax.axis_index("s")
        row0 = s * STRIPE
        for bb in range(NB // _NUM_CORES):
            b = c * (NB // _NUM_CORES) + bb
            pltpu.sync_copy(z_hbm, acc.at[pl.ds(row0, STRIPE)])
            plsc.subcore_barrier()

            def body(j, carry):
                jj = j % 4

                @pl.when(j > 0)
                def _drainA():
                    pltpu.make_async_copy(z_hbm.at[pl.ds(0, G)], rowsA, sA).wait()

                @pl.when(jj == 0)
                def _loadA():
                    pltpu.sync_copy(sd_hbm.at[b, s, 0, pl.ds(j, 4)], sdA)

                dA = pltpu.async_copy(h_hbm.at[sdA.at[jj, 0]], rowsA, gA)

                @pl.when(j > 0)
                def _drainB():
                    pltpu.make_async_copy(z_hbm.at[pl.ds(0, G)], rowsB, sB).wait()

                @pl.when(jj == 0)
                def _loadB():
                    pltpu.sync_copy(sd_hbm.at[b, s, 1, pl.ds(j, 4)], sdB)

                dB = pltpu.async_copy(h_hbm.at[sdB.at[jj, 0]], rowsB, gB)
                dA.wait()
                pltpu.async_copy(rowsA, acc.at[sdA.at[jj, 1]], sA, add=True)
                dB.wait()
                pltpu.async_copy(rowsB, acc.at[sdB.at[jj, 1]], sB, add=True)
                return carry

            lax.fori_loop(0, NG // 2, body, 0)
            pltpu.make_async_copy(z_hbm.at[pl.ds(0, G)], rowsA, sA).wait()
            pltpu.make_async_copy(z_hbm.at[pl.ds(0, G)], rowsB, sB).wait()
            plsc.subcore_barrier()
            pltpu.sync_copy(acc.at[pl.ds(row0, STRIPE)],
                            out_hbm.at[b, pl.ds(row0, STRIPE)])

    return k



def _mm2_body(a_ref, b1_ref, w_ref, o_ref):
    t = jnp.tanh(a_ref[...] + b1_ref[...])
    o_ref[...] = jnp.sum(t * w_ref[...], axis=1, keepdims=True)


def _mm2(aggflat, b1, W2):
    M, D = aggflat.shape
    BLK = next(b for b in (4096, 2048, 1024, 512, 256, 128, 64, 32, 16, 8)
               if M % b == 0)
    return pl.pallas_call(
        _mm2_body,
        grid=(M // BLK,),
        in_specs=[pl.BlockSpec((BLK, D), lambda i: (i, 0)),
                  pl.BlockSpec((1, D), lambda i: (0, 0)),
                  pl.BlockSpec((1, D), lambda i: (0, 0))],
        out_specs=pl.BlockSpec((BLK, 1), lambda i: (i, 0)),
        out_shape=jax.ShapeDtypeStruct((M, 1), F32),
    )(aggflat, b1.reshape(1, D), W2.reshape(1, D))



def _sc2_build(NB, NP, EPT):
    NPB = NP * NB
    NCH = EPT // 16
    NW = _NUM_CORES * _NUM_TILES
    mesh = plsc.VectorSubcoreMesh(core_axis_name="c", subcore_axis_name="s",
                                  num_cores=_NUM_CORES, num_subcores=_NUM_TILES)

    @functools.partial(
        pl.kernel,
        out_type=jax.ShapeDtypeStruct((NW * NPB,), F32),
        mesh=mesh,
        compiler_params=pltpu.CompilerParams(needs_layout_passes=False),
        scratch_types=[
            pltpu.VMEM((NPB,), F32),
            pltpu.VMEM((NPB,), F32),
            pltpu.VMEM((EPT,), I32),
            pltpu.VMEM((EPT,), I32),
        ],
    )
    def k(s_hbm, src_hbm, dst_hbm, z_hbm, out_hbm,
          s_loc, acc, src_loc, dst_loc):
        c = lax.axis_index("c")
        s = lax.axis_index("s")
        w = c * _NUM_TILES + s
        pltpu.sync_copy(s_hbm, s_loc)
        pltpu.sync_copy(z_hbm, acc)
        pltpu.sync_copy(src_hbm.at[pl.ds(w * EPT, EPT)], src_loc)
        pltpu.sync_copy(dst_hbm.at[pl.ds(w * EPT, EPT)], dst_loc)

        def body(i, carry):
            sv = src_loc[pl.ds(i * 16, 16)] * NB
            dv = dst_loc[pl.ds(i * 16, 16)] * NB
            for b in range(NB):
                vals = plsc.load_gather(s_loc, [sv + b])
                plsc.addupdate_scatter(acc, [dv + b], vals)
            return carry

        lax.fori_loop(0, NCH, body, 0)
        pltpu.sync_copy(acc, out_hbm.at[pl.ds(w * NPB, NPB)])

    return k



def _att_body(NB, NVALID, pt_ref, b2_ref, v_ref, ctx_ref, sc_ref):
    NW = pt_ref.shape[0]
    sp = pt_ref[0] + b2_ref[...]
    for t in range(1, NW):
        sp = sp + pt_ref[t]
    sc_ref[...] = sp
    col = lax.broadcasted_iota(I32, sp.shape, 1)
    valid = col < NVALID
    m = jnp.max(jnp.where(valid, sp, -1e30), axis=1, keepdims=True)
    e = jnp.where(valid, jnp.exp(sp - m), 0.0)
    z = jnp.sum(e, axis=1, keepdims=True)
    attn = e / z
    ctx_ref[...] = jnp.concatenate(
        [jnp.dot(attn[b:b + 1, :NVALID], v_ref[b],
                 preferred_element_type=F32,
                 precision=lax.Precision.HIGHEST)
         for b in range(NB)], axis=0)


def _att(Pt, b2, values):
    NB, N, D = values.shape
    NW, NP = Pt.shape[0], Pt.shape[2]
    return pl.pallas_call(
        functools.partial(_att_body, NB, N),
        grid=(1,),
        in_specs=[pl.BlockSpec((NW, NB, NP), lambda i: (0, 0, 0)),
                  pl.BlockSpec((1, 1), lambda i: (0, 0)),
                  pl.BlockSpec((NB, N, D), lambda i: (0, 0, 0))],
        out_specs=[pl.BlockSpec((NB, D), lambda i: (0, 0)),
                   pl.BlockSpec((NB, NP), lambda i: (0, 0))],
        out_shape=[jax.ShapeDtypeStruct((NB, D), F32),
                   jax.ShapeDtypeStruct((NB, NP), F32)],
    )(Pt, b2.reshape(1, 1), values)



def kernel(query, values, edges, W1, b1, W2, b2):
    NB, N, D = query.shape
    E = edges.shape[1]

    NP = -(-(N + 1) // 2048) * 2048
    STRIPE = NP // _NUM_TILES
    G1, G2 = 128, 64
    EPT1 = -(-E // (_NUM_TILES * G1)) * G1
    while (EPT1 // G1) % 4:
        EPT1 += G1
    E_pad = EPT1 * _NUM_TILES
    NG1 = EPT1 // G1
    EPT2 = E_pad // (_NUM_TILES * _NUM_CORES)
    NG2 = EPT2 // G2

    src = edges[0]
    dst = edges[1]
    pad = E_pad - E
    src_p = jnp.concatenate([src, jnp.arange(pad, dtype=I32) % N])
    dst_p = jnp.concatenate([dst, N + (jnp.arange(pad, dtype=I32) % (NP - N))])
    srcb = src_p[None, :] + (jnp.arange(NB, dtype=I32) * N)[:, None]
    NT, NG1h = _NUM_TILES, NG1 // 2
    sd = jnp.stack([srcb.reshape(NB, NT, NG1, G1),
                    jnp.broadcast_to(dst_p.reshape(NT, NG1, G1),
                                     (NB, NT, NG1, G1))], axis=3)
    sd5 = sd.reshape(NB, NT, NG1h, 2, 2, G1).transpose(0, 1, 3, 2, 4, 5)
    z1 = jnp.zeros((STRIPE, D), F32)
    z4 = jnp.zeros((NP * NB,), F32)
    NW = _NUM_CORES * _NUM_TILES

    Hflat = _mm1(query.reshape(NB * N, D), W1)
    AGG = _sc1_build(NB, NP, D, EPT1, NG1, G1, STRIPE)(
        Hflat, sd5, z1)
    Sv = _mm2(AGG.reshape(NB * NP, D), b1, W2)
    S4 = Sv.reshape(NB, NP).T.reshape(NP * NB)
    P = _sc2_build(NB, NP, EPT2)(S4, src_p, dst_p, z4)
    Pt = jnp.transpose(P.reshape(NW, NP, NB), (0, 2, 1))
    ctx, scores = _att(Pt, b2, values)
    return ctx, scores[:, :N, None]

# --- scband reference (transcript-rebuilt; emitter-appended) ---
"""Pipeline reference for scband-graph-attention-9620726743550 (READ-ONLY COPY).

The authoritative reference and input builder live on the scoring server;
editing this copy changes nothing except your own understanding.
"""

import jax, jax.numpy as jnp
import numpy as np

N = 10000
E = 320000
D_IN = 128
D_OUT = 128
B = 4


def setup_inputs(seed: int = 0) -> dict:
    key = jax.random.key(seed)
    ks = jax.random.split(key, 6)
    query = jax.random.normal(ks[0], (B, N, D_IN), dtype=jnp.float32)
    values = jax.random.normal(ks[1], (B, N, D_IN), dtype=jnp.float32)
    edges = jax.random.randint(ks[2], (2, E), 0, N, dtype=jnp.int32)
    W1 = jax.random.normal(ks[3], (D_IN, D_OUT), dtype=jnp.float32) * (1.0 / np.sqrt(D_IN))
    b1 = jnp.zeros((D_OUT,), dtype=jnp.float32)
    W2 = jax.random.normal(ks[4], (D_OUT, 1), dtype=jnp.float32) * (1.0 / np.sqrt(D_OUT))
    b2 = jnp.zeros((1,), dtype=jnp.float32)
    return {"query": query, "values": values, "edges": edges,
            "W1": W1, "b1": b1, "W2": W2, "b2": b2}


def reference(query, values, edges, W1, b1, W2, b2):
    # GraphConv(x, edges): linear transform then message passing
    # (gather on src, scatter-add segment_sum on dst), standard GCN-style conv.
    src = edges[0]
    dst = edges[1]

    def gconv(x, W, b):
        h = x @ W                       # [N, d_out]
        msg = jnp.take(h, src, axis=0)  # gather: [E, d_out]
        agg = jax.ops.segment_sum(msg, dst, num_segments=N)  # scatter-add: [N, d_out]
        return agg + b

    def per_item(q):
        h1 = jnp.tanh(gconv(q, W1, b1))   # nn.Tanh()(self.gconv1(q, edges))
        s = gconv(h1, W2, b2)             # self.gconv2(...) -> [N, 1]
        return s

    # torch: score = cat([unsqueeze(gconv2(tanh(gconv1(q, edges)), edges), 0) for q in query], 0)
    score = jax.vmap(per_item)(query)                      # [B, N, 1]
    attention_weights = jax.nn.softmax(score, axis=1)      # Softmax(dim=1)
    context_vector = attention_weights * values            # broadcast [B, N, 1] * [B, N, D]
    context_vector = jnp.sum(context_vector, axis=1)       # [B, D]
    return (context_vector, score)

if __name__ == "__main__":
    import jax
    _d = setup_inputs()
    print(jax.jit(kernel)(*tuple(_d.values())))

</pallas_src>

<mosaic_0001>
#map = affine_map<(d0, d1) -> (0, 0)>
#map1 = affine_map<(d0, d1) -> (0, 0, 0, 0, 0, 0)>
#map2 = affine_map<(d0, d1) -> (0, 0, 0)>
module attributes {stable_mosaic.version = 14 : i64} {
  func.func @k(%arg0: i32, %arg1: i32, %arg2: memref<40000x128xf32, #tpu.memory_space<hbm>>, %arg3: memref<4x16x2x80x2x128xi32, #tpu.memory_space<hbm>>, %arg4: memref<640x128xf32, #tpu.memory_space<hbm>>, %arg5: memref<4x10240x128xf32, #tpu.memory_space<hbm>>, %arg6: memref<4x2x128xi32, #tpu.memory_space<vmem>>, %arg7: memref<4x2x128xi32, #tpu.memory_space<vmem>>, %arg8: memref<128x128xf32, #tpu.memory_space<vmem>>, %arg9: memref<128x128xf32, #tpu.memory_space<vmem>>, %arg10: memref<10240x128xf32, #tpu.memory_space<vmem_shared>>, %arg11: memref<!tpu.dma_semaphore, #tpu.memory_space<semaphore_mem>>, %arg12: memref<!tpu.dma_semaphore, #tpu.memory_space<semaphore_mem>>, %arg13: memref<!tpu.dma_semaphore, #tpu.memory_space<semaphore_mem>>, %arg14: memref<!tpu.dma_semaphore, #tpu.memory_space<semaphore_mem>>) attributes {dimension_semantics = [#tpu.dimension_semantics<core_parallel>, #tpu.dimension_semantics<subcore_parallel>], iteration_bounds = array<i64: 2, 16>, scalar_prefetch = 0 : i64, scratch_operands = 9 : i64, tpu.core_type = #tpu.core_type<sc_vector_subcore>, window_params = [{transform_indices = #map}, {transform_indices = #map1}, {transform_indices = #map}, {transform_indices = #map2}]} {
    %mul3A = arith.constant 640 : i32
    %mul3A_0 = arith.muli %arg1, %mul3A : i32
    %mul3A_1 = arith.constant 2 : i32
    %mul3A_2 = arith.muli %arg0, %mul3A_1 : i32
    %add3A = arith.constant 0 : i32
    %add3A_3 = arith.addi %mul3A_2, %add3A : i32
    "tpu.region"() ({
      %run_scoped3A = tpu.sem_alloc : memref<!tpu.dma_semaphore, #tpu.memory_space<semaphore_mem>>
      %dma_start3A = arith.constant 0 : i32
      %dma_start3A_45 = tpu.memref_slice %arg10[%mul3A_0, %dma_start3A] : memref<10240x128xf32, #tpu.memory_space<vmem_shared>> -> memref<640x128xf32, #tpu.memory_space<vmem_shared>>
      tpu.enqueue_dma source(%arg4 : memref<640x128xf32, #tpu.memory_space<hbm>>) target(%dma_start3A_45 : memref<640x128xf32, #tpu.memory_space<vmem_shared>>) target_semaphore(%run_scoped3A : memref<!tpu.dma_semaphore, #tpu.memory_space<semaphore_mem>>)
      %dma_wait3A_46 = arith.constant 0 : i32
      %dma_wait3A_47 = tpu.memref_slice %arg10[%mul3A_0, %dma_wait3A_46] : memref<10240x128xf32, #tpu.memory_space<vmem_shared>> -> memref<640x128xf32, #tpu.memory_space<vmem_shared>>
      tpu.wait_dma2 semaphore(%run_scoped3A : memref<!tpu.dma_semaphore, #tpu.memory_space<semaphore_mem>>) src(%arg4 : memref<640x128xf32, #tpu.memory_space<hbm>>) dst(%dma_wait3A_47 : memref<640x128xf32, #tpu.memory_space<vmem_shared>>)
      tpu.yield
    }) : () -> ()
    %barrier3A = arith.constant 0 : index
    tpu.barrier barrier_id(%barrier3A)
    %scan3A = arith.constant 0 : i32
    %scan3A_4 = arith.constant 0 : i32
    %scan3A_5 = arith.constant 80 : i32
    %scan3A_6 = arith.addi %scan3A_4, %scan3A_5 : i32
    %scan3A_7 = arith.constant 1 : i32
    scf.for %scan3A_45 = %scan3A_4 to %scan3A_6 step %scan3A_7  : i32 {
      %jit3A = arith.constant 4 : i32
      %eq3A = arith.constant 0 : i32
      %eq3A_46 = arith.cmpi eq, %jit3A, %eq3A : i32
      %jit3A_47 = arith.constant 1 : i32
      %select_n3A = arith.select %eq3A_46, %jit3A_47, %jit3A : i32
      %rem3A = arith.remsi %scan3A_45, %select_n3A : i32
      %ne3A = arith.constant 0 : i32
      %ne3A_48 = arith.cmpi ne, %rem3A, %ne3A : i32
      %lt3A = arith.constant 0 : i32
      %lt3A_49 = arith.cmpi slt, %rem3A, %lt3A : i32
      %lt3A_50 = arith.constant 0 : i32
      %lt3A_51 = arith.cmpi slt, %select_n3A, %lt3A_50 : i32
      %ne3A_52 = arith.xori %lt3A_49, %lt3A_51 : i1
      %and3A = arith.andi %ne3A_52, %ne3A_48 : i1
      %add3A_53 = arith.addi %rem3A, %select_n3A : i32
      %select_n3A_54 = arith.select %and3A, %add3A_53, %rem3A : i32
      %gt3A = arith.constant 0 : i32
      %gt3A_55 = arith.cmpi sgt, %scan3A_45, %gt3A : i32
      %convert_element_type3A = arith.extui %gt3A_55 : i1 to i32
      %cond3A = arith.constant 0 : i32
      %cond3A_56 = arith.cmpi ne, %convert_element_type3A, %cond3A : i32
      scf.if %cond3A_56 {
        %dma_wait3A_113 = arith.constant 0 : i32
        %dma_wait3A_114 = arith.constant 0 : i32
        %dma_wait3A_115 = tpu.memref_slice %arg4[%dma_wait3A_113, %dma_wait3A_114] : memref<640x128xf32, #tpu.memory_space<hbm>> -> memref<128x128xf32, #tpu.memory_space<hbm>>
        %dma_wait3A_116 = arith.constant 0 : i32
        %dma_wait3A_117 = arith.constant 0 : i32
        %dma_wait3A_118 = tpu.memref_slice %arg4[%dma_wait3A_116, %dma_wait3A_117] : memref<640x128xf32, #tpu.memory_space<hbm>> -> memref<128x128xf32, #tpu.memory_space<hbm>>
        tpu.wait_dma2 semaphore(%arg13 : memref<!tpu.dma_semaphore, #tpu.memory_space<semaphore_mem>>) src(%dma_wait3A_118 : memref<128x128xf32, #tpu.memory_space<hbm>>) dst(%arg8 : memref<128x128xf32, #tpu.memory_space<vmem>>)
      } else {
      }
      %eq3A_57 = arith.constant 0 : i32
      %eq3A_58 = arith.cmpi eq, %select_n3A_54, %eq3A_57 : i32
      %convert_element_type3A_59 = arith.extui %eq3A_58 : i1 to i32
      %cond3A_60 = arith.constant 0 : i32
      %cond3A_61 = arith.cmpi ne, %convert_element_type3A_59, %cond3A_60 : i32
      scf.if %cond3A_61 {
        %run_scoped3A = arith.constant 0 : i32
        "tpu.region"() ({
          %run_scoped3A_113 = tpu.sem_alloc : memref<!tpu.dma_semaphore, #tpu.memory_space<semaphore_mem>>
          %dma_start3A_114 = arith.constant 0 : i32
          %dma_start3A_115 = arith.constant 0 : i32
          %dma_start3A_116 = tpu.memref_slice %arg3[%add3A_3, %arg1, %run_scoped3A, %scan3A_45, %dma_start3A_114, %dma_start3A_115] : memref<4x16x2x80x2x128xi32, #tpu.memory_space<hbm>> -> memref<1x1x1x4x2x128xi32, #tpu.memory_space<hbm>>
          %dma_start3A_117 = tpu.memref_squeeze %dma_start3A_116 : memref<1x1x1x4x2x128xi32, #tpu.memory_space<hbm>> -> memref<4x2x128xi32, #tpu.memory_space<hbm>>
          %dma_start3A_118 = arith.constant 0 : i32
          %dma_start3A_119 = arith.constant 0 : i32
          %dma_start3A_120 = tpu.memref_slice %arg3[%add3A_3, %arg1, %run_scoped3A, %scan3A_45, %dma_start3A_118, %dma_start3A_119] : memref<4x16x2x80x2x128xi32, #tpu.memory_space<hbm>> -> memref<1x1x1x4x2x128xi32, #tpu.memory_space<hbm>>
          %dma_start3A_121 = tpu.memref_squeeze %dma_start3A_120 : memref<1x1x1x4x2x128xi32, #tpu.memory_space<hbm>> -> memref<4x2x128xi32, #tpu.memory_space<hbm>>
          tpu.enqueue_dma source(%dma_start3A_121 : memref<4x2x128xi32, #tpu.memory_space<hbm>>) target(%arg6 : memref<4x2x128xi32, #tpu.memory_space<vmem>>) target_semaphore(%run_scoped3A_113 : memref<!tpu.dma_semaphore, #tpu.memory_space<semaphore_mem>>)
          %dma_wait3A_122 = arith.constant 0 : i32
          %dma_wait3A_123 = arith.constant 0 : i32
          %dma_wait3A_124 = tpu.memref_slice %arg3[%add3A_3, %arg1, %run_scoped3A, %scan3A_45, %dma_wait3A_122, %dma_wait3A_123] : memref<4x16x2x80x2x128xi32, #tpu.memory_space<hbm>> -> memref<1x1x1x4x2x128xi32, #tpu.memory_space<hbm>>
          %dma_wait3A_125 = tpu.memref_squeeze %dma_wait3A_124 : memref<1x1x1x4x2x128xi32, #tpu.memory_space<hbm>> -> memref<4x2x128xi32, #tpu.memory_space<hbm>>
          %dma_wait3A_126 = arith.constant 0 : i32
          %dma_wait3A_127 = arith.constant 0 : i32
          %dma_wait3A_128 = tpu.memref_slice %arg3[%add3A_3, %arg1, %run_scoped3A, %scan3A_45, %dma_wait3A_126, %dma_wait3A_127] : memref<4x16x2x80x2x128xi32, #tpu.memory_space<hbm>> -> memref<1x1x1x4x2x128xi32, #tpu.memory_space<hbm>>
          %dma_wait3A_129 = tpu.memref_squeeze %dma_wait3A_128 : memref<1x1x1x4x2x128xi32, #tpu.memory_space<hbm>> -> memref<4x2x128xi32, #tpu.memory_space<hbm>>
          tpu.wait_dma2 semaphore(%run_scoped3A_113 : memref<!tpu.dma_semaphore, #tpu.memory_space<semaphore_mem>>) src(%dma_wait3A_129 : memref<4x2x128xi32, #tpu.memory_space<hbm>>) dst(%arg6 : memref<4x2x128xi32, #tpu.memory_space<vmem>>)
          tpu.yield
        }) : () -> ()
      } else {
      }
      %dma_start3A = arith.constant 0 : i32
      %dma_start3A_62 = arith.constant 0 : i32
      %dma_start3A_63 = tpu.memref_slice %arg6[%select_n3A_54, %dma_start3A, %dma_start3A_62] : memref<4x2x128xi32, #tpu.memory_space<vmem>> -> memref<1x1x128xi32, #tpu.memory_space<vmem>>
      %dma_start3A_64 = tpu.memref_squeeze %dma_start3A_63 : memref<1x1x128xi32, #tpu.memory_space<vmem>> -> memref<128xi32, #tpu.memory_space<vmem>>
      %dma_start3A_65 = arith.constant 0 : i32
      %dma_start3A_66 = arith.constant 0 : i32
      %dma_start3A_67 = tpu.memref_slice %arg2[%dma_start3A_65, %dma_start3A_66] : memref<40000x128xf32, #tpu.memory_space<hbm>> -> memref<40000x128xf32, #tpu.memory_space<hbm>>
      tpu.enqueue_indirect_dma source(%dma_start3A_67 : memref<40000x128xf32, #tpu.memory_space<hbm>>) target(%arg8 : memref<128x128xf32, #tpu.memory_space<vmem>>) offsets(%dma_start3A_64 : memref<128xi32, #tpu.memory_space<vmem>>) semaphore(%arg11 : memref<!tpu.dma_semaphore, #tpu.memory_space<semaphore_mem>>)
      %gt3A_68 = arith.constant 0 : i32
      %gt3A_69 = arith.cmpi sgt, %scan3A_45, %gt3A_68 : i32
      %convert_element_type3A_70 = arith.extui %gt3A_69 : i1 to i32
      %cond3A_71 = arith.constant 0 : i32
      %cond3A_72 = arith.cmpi ne, %convert_element_type3A_70, %cond3A_71 : i32
      scf.if %cond3A_72 {
        %dma_wait3A_113 = arith.constant 0 : i32
        %dma_wait3A_114 = arith.constant 0 : i32
        %dma_wait3A_115 = tpu.memref_slice %arg4[%dma_wait3A_113, %dma_wait3A_114] : memref<640x128xf32, #tpu.memory_space<hbm>> -> memref<128x128xf32, #tpu.memory_space<hbm>>
        %dma_wait3A_116 = arith.constant 0 : i32
        %dma_wait3A_117 = arith.constant 0 : i32
        %dma_wait3A_118 = tpu.memref_slice %arg4[%dma_wait3A_116, %dma_wait3A_117] : memref<640x128xf32, #tpu.memory_space<hbm>> -> memref<128x128xf32, #tpu.memory_space<hbm>>
        tpu.wait_dma2 semaphore(%arg14 : memref<!tpu.dma_semaphore, #tpu.memory_space<semaphore_mem>>) src(%dma_wait3A_118 : memref<128x128xf32, #tpu.memory_space<hbm>>) dst(%arg9 : memref<128x128xf32, #tpu.memory_space<vmem>>)
      } else {
      }
      %eq3A_73 = arith.constant 0 : i32
      %eq3A_74 = arith.cmpi eq, %select_n3A_54, %eq3A_73 : i32
      %convert_element_type3A_75 = arith.extui %eq3A_74 : i1 to i32
      %cond3A_76 = arith.constant 0 : i32
      %cond3A_77 = arith.cmpi ne, %convert_element_type3A_75, %cond3A_76 : i32
      scf.if %cond3A_77 {
        %run_scoped3A = arith.constant 1 : i32
        "tpu.region"() ({
          %run_scoped3A_113 = tpu.sem_alloc : memref<!tpu.dma_semaphore, #tpu.memory_space<semaphore_mem>>
          %dma_start3A_114 = arith.constant 0 : i32
          %dma_start3A_115 = arith.constant 0 : i32
          %dma_start3A_116 = tpu.memref_slice %arg3[%add3A_3, %arg1, %run_scoped3A, %scan3A_45, %dma_start3A_114, %dma_start3A_115] : memref<4x16x2x80x2x128xi32, #tpu.memory_space<hbm>> -> memref<1x1x1x4x2x128xi32, #tpu.memory_space<hbm>>
          %dma_start3A_117 = tpu.memref_squeeze %dma_start3A_116 : memref<1x1x1x4x2x128xi32, #tpu.memory_space<hbm>> -> memref<4x2x128xi32, #tpu.memory_space<hbm>>
          %dma_start3A_118 = arith.constant 0 : i32
          %dma_start3A_119 = arith.constant 0 : i32
          %dma_start3A_120 = tpu.memref_slice %arg3[%add3A_3, %arg1, %run_scoped3A, %scan3A_45, %dma_start3A_118, %dma_start3A_119] : memref<4x16x2x80x2x128xi32, #tpu.memory_space<hbm>> -> memref<1x1x1x4x2x128xi32, #tpu.memory_space<hbm>>
          %dma_start3A_121 = tpu.memref_squeeze %dma_start3A_120 : memref<1x1x1x4x2x128xi32, #tpu.memory_space<hbm>> -> memref<4x2x128xi32, #tpu.memory_space<hbm>>
          tpu.enqueue_dma source(%dma_start3A_121 : memref<4x2x128xi32, #tpu.memory_space<hbm>>) target(%arg7 : memref<4x2x128xi32, #tpu.memory_space<vmem>>) target_semaphore(%run_scoped3A_113 : memref<!tpu.dma_semaphore, #tpu.memory_space<semaphore_mem>>)
          %dma_wait3A_122 = arith.constant 0 : i32
          %dma_wait3A_123 = arith.constant 0 : i32
          %dma_wait3A_124 = tpu.memref_slice %arg3[%add3A_3, %arg1, %run_scoped3A, %scan3A_45, %dma_wait3A_122, %dma_wait3A_123] : memref<4x16x2x80x2x128xi32, #tpu.memory_space<hbm>> -> memref<1x1x1x4x2x128xi32, #tpu.memory_space<hbm>>
          %dma_wait3A_125 = tpu.memref_squeeze %dma_wait3A_124 : memref<1x1x1x4x2x128xi32, #tpu.memory_space<hbm>> -> memref<4x2x128xi32, #tpu.memory_space<hbm>>
          %dma_wait3A_126 = arith.constant 0 : i32
          %dma_wait3A_127 = arith.constant 0 : i32
          %dma_wait3A_128 = tpu.memref_slice %arg3[%add3A_3, %arg1, %run_scoped3A, %scan3A_45, %dma_wait3A_126, %dma_wait3A_127] : memref<4x16x2x80x2x128xi32, #tpu.memory_space<hbm>> -> memref<1x1x1x4x2x128xi32, #tpu.memory_space<hbm>>
          %dma_wait3A_129 = tpu.memref_squeeze %dma_wait3A_128 : memref<1x1x1x4x2x128xi32, #tpu.memory_space<hbm>> -> memref<4x2x128xi32, #tpu.memory_space<hbm>>
          tpu.wait_dma2 semaphore(%run_scoped3A_113 : memref<!tpu.dma_semaphore, #tpu.memory_space<semaphore_mem>>) src(%dma_wait3A_129 : memref<4x2x128xi32, #tpu.memory_space<hbm>>) dst(%arg7 : memref<4x2x128xi32, #tpu.memory_space<vmem>>)
          tpu.yield
        }) : () -> ()
      } else {
      }
      %dma_start3A_78 = arith.constant 0 : i32
      %dma_start3A_79 = arith.constant 0 : i32
      %dma_start3A_80 = tpu.memref_slice %arg7[%select_n3A_54, %dma_start3A_78, %dma_start3A_79] : memref<4x2x128xi32, #tpu.memory_space<vmem>> -> memref<1x1x128xi32, #tpu.memory_space<vmem>>
      %dma_start3A_81 = tpu.memref_squeeze %dma_start3A_80 : memref<1x1x128xi32, #tpu.memory_space<vmem>> -> memref<128xi32, #tpu.memory_space<vmem>>
      %dma_start3A_82 = arith.constant 0 : i32
      %dma_start3A_83 = arith.constant 0 : i32
      %dma_start3A_84 = tpu.memref_slice %arg2[%dma_start3A_82, %dma_start3A_83] : memref<40000x128xf32, #tpu.memory_space<hbm>> -> memref<40000x128xf32, #tpu.memory_space<hbm>>
      tpu.enqueue_indirect_dma source(%dma_start3A_84 : memref<40000x128xf32, #tpu.memory_space<hbm>>) target(%arg9 : memref<128x128xf32, #tpu.memory_space<vmem>>) offsets(%dma_start3A_81 : memref<128xi32, #tpu.memory_space<vmem>>) semaphore(%arg12 : memref<!tpu.dma_semaphore, #tpu.memory_space<semaphore_mem>>)
      %dma_wait3A_85 = arith.constant 0 : i32
      %dma_wait3A_86 = arith.constant 0 : i32
      %dma_wait3A_87 = tpu.memref_slice %arg6[%select_n3A_54, %dma_wait3A_85, %dma_wait3A_86] : memref<4x2x128xi32, #tpu.memory_space<vmem>> -> memref<1x1x128xi32, #tpu.memory_space<vmem>>
      %dma_wait3A_88 = tpu.memref_squeeze %dma_wait3A_87 : memref<1x1x128xi32, #tpu.memory_space<vmem>> -> memref<128xi32, #tpu.memory_space<vmem>>
      %dma_wait3A_89 = arith.constant 0 : i32
      %dma_wait3A_90 = arith.constant 0 : i32
      %dma_wait3A_91 = tpu.memref_slice %arg2[%dma_wait3A_89, %dma_wait3A_90] : memref<40000x128xf32, #tpu.memory_space<hbm>> -> memref<40000x128xf32, #tpu.memory_space<hbm>>
      tpu.wait_indirect_dma semaphore(%arg11 : memref<!tpu.dma_semaphore, #tpu.memory_space<semaphore_mem>>) src(%dma_wait3A_91 : memref<40000x128xf32, #tpu.memory_space<hbm>>) dst(%arg8 : memref<128x128xf32, #tpu.memory_space<vmem>>)
      %dma_start3A_92 = arith.constant 1 : i32
      %dma_start3A_93 = arith.constant 0 : i32
      %dma_start3A_94 = tpu.memref_slice %arg6[%select_n3A_54, %dma_start3A_92, %dma_start3A_93] : memref<4x2x128xi32, #tpu.memory_space<vmem>> -> memref<1x1x128xi32, #tpu.memory_space<vmem>>
      %dma_start3A_95 = tpu.memref_squeeze %dma_start3A_94 : memref<1x1x128xi32, #tpu.memory_space<vmem>> -> memref<128xi32, #tpu.memory_space<vmem>>
      %dma_start3A_96 = arith.constant 0 : i32
      %dma_start3A_97 = arith.constant 0 : i32
      %dma_start3A_98 = tpu.memref_slice %arg10[%dma_start3A_96, %dma_start3A_97] : memref<10240x128xf32, #tpu.memory_space<vmem_shared>> -> memref<10240x128xf32, #tpu.memory_space<vmem_shared>>
      tpu.enqueue_indirect_dma source(%arg8 : memref<128x128xf32, #tpu.memory_space<vmem>>) target(%dma_start3A_98 : memref<10240x128xf32, #tpu.memory_space<vmem_shared>>) offsets(%dma_start3A_95 : memref<128xi32, #tpu.memory_space<vmem>>) semaphore(%arg13 : memref<!tpu.dma_semaphore, #tpu.memory_space<semaphore_mem>>) {add = true}
      %dma_wait3A_99 = arith.constant 0 : i32
      %dma_wait3A_100 = arith.constant 0 : i32
      %dma_wait3A_101 = tpu.memref_slice %arg7[%select_n3A_54, %dma_wait3A_99, %dma_wait3A_100] : memref<4x2x128xi32, #tpu.memory_space<vmem>> -> memref<1x1x128xi32, #tpu.memory_space<vmem>>
      %dma_wait3A_102 = tpu.memref_squeeze %dma_wait3A_101 : memref<1x1x128xi32, #tpu.memory_space<vmem>> -> memref<128xi32, #tpu.memory_space<vmem>>
      %dma_wait3A_103 = arith.constant 0 : i32
      %dma_wait3A_104 = arith.constant 0 : i32
      %dma_wait3A_105 = tpu.memref_slice %arg2[%dma_wait3A_103, %dma_wait3A_104] : memref<40000x128xf32, #tpu.memory_space<hbm>> -> memref<40000x128xf32, #tpu.memory_space<hbm>>
      tpu.wait_indirect_dma semaphore(%arg12 : memref<!tpu.dma_semaphore, #tpu.memory_space<semaphore_mem>>) src(%dma_wait3A_105 : memref<40000x128xf32, #tpu.memory_space<hbm>>) dst(%arg9 : memref<128x128xf32, #tpu.memory_space<vmem>>)
      %dma_start3A_106 = arith.constant 1 : i32
      %dma_start3A_107 = arith.constant 0 : i32
      %dma_start3A_108 = tpu.memref_slice %arg7[%select_n3A_54, %dma_start3A_106, %dma_start3A_107] : memref<4x2x128xi32, #tpu.memory_space<vmem>> -> memref<1x1x128xi32, #tpu.memory_space<vmem>>
      %dma_start3A_109 = tpu.memref_squeeze %dma_start3A_108 : memref<1x1x128xi32, #tpu.memory_space<vmem>> -> memref<128xi32, #tpu.memory_space<vmem>>
      %dma_start3A_110 = arith.constant 0 : i32
      %dma_start3A_111 = arith.constant 0 : i32
      %dma_start3A_112 = tpu.memref_slice %arg10[%dma_start3A_110, %dma_start3A_111] : memref<10240x128xf32, #tpu.memory_space<vmem_shared>> -> memref<10240x128xf32, #tpu.memory_space<vmem_shared>>
      tpu.enqueue_indirect_dma source(%arg9 : memref<128x128xf32, #tpu.memory_space<vmem>>) target(%dma_start3A_112 : memref<10240x128xf32, #tpu.memory_space<vmem_shared>>) offsets(%dma_start3A_109 : memref<128xi32, #tpu.memory_space<vmem>>) semaphore(%arg14 : memref<!tpu.dma_semaphore, #tpu.memory_space<semaphore_mem>>) {add = true}
    }
    %scan3A_8 = arith.constant 80 : i32
    %dma_wait3A = arith.constant 0 : i32
    %dma_wait3A_9 = arith.constant 0 : i32
    %dma_wait3A_10 = tpu.memref_slice %arg4[%dma_wait3A, %dma_wait3A_9] : memref<640x128xf32, #tpu.memory_space<hbm>> -> memref<128x128xf32, #tpu.memory_space<hbm>>
    %dma_wait3A_11 = arith.constant 0 : i32
    %dma_wait3A_12 = arith.constant 0 : i32
    %dma_wait3A_13 = tpu.memref_slice %arg4[%dma_wait3A_11, %dma_wait3A_12] : memref<640x128xf32, #tpu.memory_space<hbm>> -> memref<128x128xf32, #tpu.memory_space<hbm>>
    tpu.wait_dma2 semaphore(%arg13 : memref<!tpu.dma_semaphore, #tpu.memory_space<semaphore_mem>>) src(%dma_wait3A_13 : memref<128x128xf32, #tpu.memory_space<hbm>>) dst(%arg8 : memref<128x128xf32, #tpu.memory_space<vmem>>)
    %dma_wait3A_14 = arith.constant 0 : i32
    %dma_wait3A_15 = arith.constant 0 : i32
    %dma_wait3A_16 = tpu.memref_slice %arg4[%dma_wait3A_14, %dma_wait3A_15] : memref<640x128xf32, #tpu.memory_space<hbm>> -> memref<128x128xf32, #tpu.memory_space<hbm>>
    %dma_wait3A_17 = arith.constant 0 : i32
    %dma_wait3A_18 = arith.constant 0 : i32
    %dma_wait3A_19 = tpu.memref_slice %arg4[%dma_wait3A_17, %dma_wait3A_18] : memref<640x128xf32, #tpu.memory_space<hbm>> -> memref<128x128xf32, #tpu.memory_space<hbm>>
    tpu.wait_dma2 semaphore(%arg14 : memref<!tpu.dma_semaphore, #tpu.memory_space<semaphore_mem>>) src(%dma_wait3A_19 : memref<128x128xf32, #tpu.memory_space<hbm>>) dst(%arg9 : memref<128x128xf32, #tpu.memory_space<vmem>>)
    %barrier3A_20 = arith.constant 0 : index
    tpu.barrier barrier_id(%barrier3A_20)
    "tpu.region"() ({
      %run_scoped3A = tpu.sem_alloc : memref<!tpu.dma_semaphore, #tpu.memory_space<semaphore_mem>>
      %dma_start3A = arith.constant 0 : i32
      %dma_start3A_45 = tpu.memref_slice %arg5[%add3A_3, %mul3A_0, %dma_start3A] : memref<4x10240x128xf32, #tpu.memory_space<hbm>> -> memref<1x640x128xf32, #tpu.memory_space<hbm>>
      %dma_start3A_46 = tpu.memref_squeeze %dma_start3A_45 : memref<1x640x128xf32, #tpu.memory_space<hbm>> -> memref<640x128xf32, #tpu.memory_space<hbm>>
      %dma_start3A_47 = arith.constant 0 : i32
      %dma_start3A_48 = tpu.memref_slice %arg10[%mul3A_0, %dma_start3A_47] : memref<10240x128xf32, #tpu.memory_space<vmem_shared>> -> memref<640x128xf32, #tpu.memory_space<vmem_shared>>
      tpu.enqueue_dma source(%dma_start3A_48 : memref<640x128xf32, #tpu.memory_space<vmem_shared>>) target(%dma_start3A_46 : memref<640x128xf32, #tpu.memory_space<hbm>>) target_semaphore(%run_scoped3A : memref<!tpu.dma_semaphore, #tpu.memory_space<semaphore_mem>>)
      %dma_wait3A_49 = arith.constant 0 : i32
      %dma_wait3A_50 = tpu.memref_slice %arg5[%add3A_3, %mul3A_0, %dma_wait3A_49] : memref<4x10240x128xf32, #tpu.memory_space<hbm>> -> memref<1x640x128xf32, #tpu.memory_space<hbm>>
      %dma_wait3A_51 = tpu.memref_squeeze %dma_wait3A_50 : memref<1x640x128xf32, #tpu.memory_space<hbm>> -> memref<640x128xf32, #tpu.memory_space<hbm>>
      %dma_wait3A_52 = arith.constant 0 : i32
      %dma_wait3A_53 = tpu.memref_slice %arg10[%mul3A_0, %dma_wait3A_52] : memref<10240x128xf32, #tpu.memory_space<vmem_shared>> -> memref<640x128xf32, #tpu.memory_space<vmem_shared>>
      tpu.wait_dma2 semaphore(%run_scoped3A : memref<!tpu.dma_semaphore, #tpu.memory_space<semaphore_mem>>) src(%dma_wait3A_53 : memref<640x128xf32, #tpu.memory_space<vmem_shared>>) dst(%dma_wait3A_51 : memref<640x128xf32, #tpu.memory_space<hbm>>)
      tpu.yield
    }) : () -> ()
    %mul3A_21 = arith.constant 2 : i32
    %mul3A_22 = arith.muli %arg0, %mul3A_21 : i32
    %add3A_23 = arith.constant 1 : i32
    %add3A_24 = arith.addi %mul3A_22, %add3A_23 : i32
    "tpu.region"() ({
      %run_scoped3A = tpu.sem_alloc : memref<!tpu.dma_semaphore, #tpu.memory_space<semaphore_mem>>
      %dma_start3A = arith.constant 0 : i32
      %dma_start3A_45 = tpu.memref_slice %arg10[%mul3A_0, %dma_start3A] : memref<10240x128xf32, #tpu.memory_space<vmem_shared>> -> memref<640x128xf32, #tpu.memory_space<vmem_shared>>
      tpu.enqueue_dma source(%arg4 : memref<640x128xf32, #tpu.memory_space<hbm>>) target(%dma_start3A_45 : memref<640x128xf32, #tpu.memory_space<vmem_shared>>) target_semaphore(%run_scoped3A : memref<!tpu.dma_semaphore, #tpu.memory_space<semaphore_mem>>)
      %dma_wait3A_46 = arith.constant 0 : i32
      %dma_wait3A_47 = tpu.memref_slice %arg10[%mul3A_0, %dma_wait3A_46] : memref<10240x128xf32, #tpu.memory_space<vmem_shared>> -> memref<640x128xf32, #tpu.memory_space<vmem_shared>>
      tpu.wait_dma2 semaphore(%run_scoped3A : memref<!tpu.dma_semaphore, #tpu.memory_space<semaphore_mem>>) src(%arg4 : memref<640x128xf32, #tpu.memory_space<hbm>>) dst(%dma_wait3A_47 : memref<640x128xf32, #tpu.memory_space<vmem_shared>>)
      tpu.yield
    }) : () -> ()
    %barrier3A_25 = arith.constant 0 : index
    tpu.barrier barrier_id(%barrier3A_25)
    %scan3A_26 = arith.constant 0 : i32
    %scan3A_27 = arith.constant 0 : i32
    %scan3A_28 = arith.constant 80 : i32
    %scan3A_29 = arith.addi %scan3A_27, %scan3A_28 : i32
    %scan3A_30 = arith.constant 1 : i32
    scf.for %scan3A_45 = %scan3A_27 to %scan3A_29 step %scan3A_30  : i32 {
      %jit3A = arith.constant 4 : i32
      %eq3A = arith.constant 0 : i32
      %eq3A_46 = arith.cmpi eq, %jit3A, %eq3A : i32
      %jit3A_47 = arith.constant 1 : i32
      %select_n3A = arith.select %eq3A_46, %jit3A_47, %jit3A : i32
      %rem3A = arith.remsi %scan3A_45, %select_n3A : i32
      %ne3A = arith.constant 0 : i32
      %ne3A_48 = arith.cmpi ne, %rem3A, %ne3A : i32
      %lt3A = arith.constant 0 : i32
      %lt3A_49 = arith.cmpi slt, %rem3A, %lt3A : i32
      %lt3A_50 = arith.constant 0 : i32
      %lt3A_51 = arith.cmpi slt, %select_n3A, %lt3A_50 : i32
      %ne3A_52 = arith.xori %lt3A_49, %lt3A_51 : i1
      %and3A = arith.andi %ne3A_52, %ne3A_48 : i1
      %add3A_53 = arith.addi %rem3A, %select_n3A : i32
      %select_n3A_54 = arith.select %and3A, %add3A_53, %rem3A : i32
      %gt3A = arith.constant 0 : i32
      %gt3A_55 = arith.cmpi sgt, %scan3A_45, %gt3A : i32
      %convert_element_type3A = arith.extui %gt3A_55 : i1 to i32
      %cond3A = arith.constant 0 : i32
      %cond3A_56 = arith.cmpi ne, %convert_element_type3A, %cond3A : i32
      scf.if %cond3A_56 {
        %dma_wait3A_113 = arith.constant 0 : i32
        %dma_wait3A_114 = arith.constant 0 : i32
        %dma_wait3A_115 = tpu.memref_slice %arg4[%dma_wait3A_113, %dma_wait3A_114] : memref<640x128xf32, #tpu.memory_space<hbm>> -> memref<128x128xf32, #tpu.memory_space<hbm>>
        %dma_wait3A_116 = arith.constant 0 : i32
        %dma_wait3A_117 = arith.constant 0 : i32
        %dma_wait3A_118 = tpu.memref_slice %arg4[%dma_wait3A_116, %dma_wait3A_117] : memref<640x128xf32, #tpu.memory_space<hbm>> -> memref<128x128xf32, #tpu.memory_space<hbm>>
        tpu.wait_dma2 semaphore(%arg13 : memref<!tpu.dma_semaphore, #tpu.memory_space<semaphore_mem>>) src(%dma_wait3A_118 : memref<128x128xf32, #tpu.memory_space<hbm>>) dst(%arg8 : memref<128x128xf32, #tpu.memory_space<vmem>>)
      } else {
      }
      %eq3A_57 = arith.constant 0 : i32
      %eq3A_58 = arith.cmpi eq, %select_n3A_54, %eq3A_57 : i32
      %convert_element_type3A_59 = arith.extui %eq3A_58 : i1 to i32
      %cond3A_60 = arith.constant 0 : i32
      %cond3A_61 = arith.cmpi ne, %convert_element_type3A_59, %cond3A_60 : i32
      scf.if %cond3A_61 {
        %run_scoped3A = arith.constant 0 : i32
        "tpu.region"() ({
          %run_scoped3A_113 = tpu.sem_alloc : memref<!tpu.dma_semaphore, #tpu.memory_space<semaphore_mem>>
          %dma_start3A_114 = arith.constant 0 : i32
          %dma_start3A_115 = arith.constant 0 : i32
          %dma_start3A_116 = tpu.memref_slice %arg3[%add3A_24, %arg1, %run_scoped3A, %scan3A_45, %dma_start3A_114, %dma_start3A_115] : memref<4x16x2x80x2x128xi32, #tpu.memory_space<hbm>> -> memref<1x1x1x4x2x128xi32, #tpu.memory_space<hbm>>
          %dma_start3A_117 = tpu.memref_squeeze %dma_start3A_116 : memref<1x1x1x4x2x128xi32, #tpu.memory_space<hbm>> -> memref<4x2x128xi32, #tpu.memory_space<hbm>>
          %dma_start3A_118 = arith.constant 0 : i32
          %dma_start3A_119 = arith.constant 0 : i32
          %dma_start3A_120 = tpu.memref_slice %arg3[%add3A_24, %arg1, %run_scoped3A, %scan3A_45, %dma_start3A_118, %dma_start3A_119] : memref<4x16x2x80x2x128xi32, #tpu.memory_space<hbm>> -> memref<1x1x1x4x2x128xi32, #tpu.memory_space<hbm>>
          %dma_start3A_121 = tpu.memref_squeeze %dma_start3A_120 : memref<1x1x1x4x2x128xi32, #tpu.memory_space<hbm>> -> memref<4x2x128xi32, #tpu.memory_space<hbm>>
          tpu.enqueue_dma source(%dma_start3A_121 : memref<4x2x128xi32, #tpu.memory_space<hbm>>) target(%arg6 : memref<4x2x128xi32, #tpu.memory_space<vmem>>) target_semaphore(%run_scoped3A_113 : memref<!tpu.dma_semaphore, #tpu.memory_space<semaphore_mem>>)
          %dma_wait3A_122 = arith.constant 0 : i32
          %dma_wait3A_123 = arith.constant 0 : i32
          %dma_wait3A_124 = tpu.memref_slice %arg3[%add3A_24, %arg1, %run_scoped3A, %scan3A_45, %dma_wait3A_122, %dma_wait3A_123] : memref<4x16x2x80x2x128xi32, #tpu.memory_space<hbm>> -> memref<1x1x1x4x2x128xi32, #tpu.memory_space<hbm>>
          %dma_wait3A_125 = tpu.memref_squeeze %dma_wait3A_124 : memref<1x1x1x4x2x128xi32, #tpu.memory_space<hbm>> -> memref<4x2x128xi32, #tpu.memory_space<hbm>>
          %dma_wait3A_126 = arith.constant 0 : i32
          %dma_wait3A_127 = arith.constant 0 : i32
          %dma_wait3A_128 = tpu.memref_slice %arg3[%add3A_24, %arg1, %run_scoped3A, %scan3A_45, %dma_wait3A_126, %dma_wait3A_127] : memref<4x16x2x80x2x128xi32, #tpu.memory_space<hbm>> -> memref<1x1x1x4x2x128xi32, #tpu.memory_space<hbm>>
          %dma_wait3A_129 = tpu.memref_squeeze %dma_wait3A_128 : memref<1x1x1x4x2x128xi32, #tpu.memory_space<hbm>> -> memref<4x2x128xi32, #tpu.memory_space<hbm>>
          tpu.wait_dma2 semaphore(%run_scoped3A_113 : memref<!tpu.dma_semaphore, #tpu.memory_space<semaphore_mem>>) src(%dma_wait3A_129 : memref<4x2x128xi32, #tpu.memory_space<hbm>>) dst(%arg6 : memref<4x2x128xi32, #tpu.memory_space<vmem>>)
          tpu.yield
        }) : () -> ()
      } else {
      }
      %dma_start3A = arith.constant 0 : i32
      %dma_start3A_62 = arith.constant 0 : i32
      %dma_start3A_63 = tpu.memref_slice %arg6[%select_n3A_54, %dma_start3A, %dma_start3A_62] : memref<4x2x128xi32, #tpu.memory_space<vmem>> -> memref<1x1x128xi32, #tpu.memory_space<vmem>>
      %dma_start3A_64 = tpu.memref_squeeze %dma_start3A_63 : memref<1x1x128xi32, #tpu.memory_space<vmem>> -> memref<128xi32, #tpu.memory_space<vmem>>
      %dma_start3A_65 = arith.constant 0 : i32
      %dma_start3A_66 = arith.constant 0 : i32
      %dma_start3A_67 = tpu.memref_slice %arg2[%dma_start3A_65, %dma_start3A_66] : memref<40000x128xf32, #tpu.memory_space<hbm>> -> memref<40000x128xf32, #tpu.memory_space<hbm>>
      tpu.enqueue_indirect_dma source(%dma_start3A_67 : memref<40000x128xf32, #tpu.memory_space<hbm>>) target(%arg8 : memref<128x128xf32, #tpu.memory_space<vmem>>) offsets(%dma_start3A_64 : memref<128xi32, #tpu.memory_space<vmem>>) semaphore(%arg11 : memref<!tpu.dma_semaphore, #tpu.memory_space<semaphore_mem>>)
      %gt3A_68 = arith.constant 0 : i32
      %gt3A_69 = arith.cmpi sgt, %scan3A_45, %gt3A_68 : i32
      %convert_element_type3A_70 = arith.extui %gt3A_69 : i1 to i32
      %cond3A_71 = arith.constant 0 : i32
      %cond3A_72 = arith.cmpi ne, %convert_element_type3A_70, %cond3A_71 : i32
      scf.if %cond3A_72 {
        %dma_wait3A_113 = arith.constant 0 : i32
        %dma_wait3A_114 = arith.constant 0 : i32
        %dma_wait3A_115 = tpu.memref_slice %arg4[%dma_wait3A_113, %dma_wait3A_114] : memref<640x128xf32, #tpu.memory_space<hbm>> -> memref<128x128xf32, #tpu.memory_space<hbm>>
        %dma_wait3A_116 = arith.constant 0 : i32
        %dma_wait3A_117 = arith.constant 0 : i32
        %dma_wait3A_118 = tpu.memref_slice %arg4[%dma_wait3A_116, %dma_wait3A_117] : memref<640x128xf32, #tpu.memory_space<hbm>> -> memref<128x128xf32, #tpu.memory_space<hbm>>
        tpu.wait_dma2 semaphore(%arg14 : memref<!tpu.dma_semaphore, #tpu.memory_space<semaphore_mem>>) src(%dma_wait3A_118 : memref<128x128xf32, #tpu.memory_space<hbm>>) dst(%arg9 : memref<128x128xf32, #tpu.memory_space<vmem>>)
      } else {
      }
      %eq3A_73 = arith.constant 0 : i32
      %eq3A_74 = arith.cmpi eq, %select_n3A_54, %eq3A_73 : i32
      %convert_element_type3A_75 = arith.extui %eq3A_74 : i1 to i32
      %cond3A_76 = arith.constant 0 : i32
      %cond3A_77 = arith.cmpi ne, %convert_element_type3A_75, %cond3A_76 : i32
      scf.if %cond3A_77 {
        %run_scoped3A = arith.constant 1 : i32
        "tpu.region"() ({
          %run_scoped3A_113 = tpu.sem_alloc : memref<!tpu.dma_semaphore, #tpu.memory_space<semaphore_mem>>
          %dma_start3A_114 = arith.constant 0 : i32
          %dma_start3A_115 = arith.constant 0 : i32
          %dma_start3A_116 = tpu.memref_slice %arg3[%add3A_24, %arg1, %run_scoped3A, %scan3A_45, %dma_start3A_114, %dma_start3A_115] : memref<4x16x2x80x2x128xi32, #tpu.memory_space<hbm>> -> memref<1x1x1x4x2x128xi32, #tpu.memory_space<hbm>>
          %dma_start3A_117 = tpu.memref_squeeze %dma_start3A_116 : memref<1x1x1x4x2x128xi32, #tpu.memory_space<hbm>> -> memref<4x2x128xi32, #tpu.memory_space<hbm>>
          %dma_start3A_118 = arith.constant 0 : i32
          %dma_start3A_119 = arith.constant 0 : i32
          %dma_start3A_120 = tpu.memref_slice %arg3[%add3A_24, %arg1, %run_scoped3A, %scan3A_45, %dma_start3A_118, %dma_start3A_119] : memref<4x16x2x80x2x128xi32, #tpu.memory_space<hbm>> -> memref<1x1x1x4x2x128xi32, #tpu.memory_space<hbm>>
          %dma_start3A_121 = tpu.memref_squeeze %dma_start3A_120 : memref<1x1x1x4x2x128xi32, #tpu.memory_space<hbm>> -> memref<4x2x128xi32, #tpu.memory_space<hbm>>
          tpu.enqueue_dma source(%dma_start3A_121 : memref<4x2x128xi32, #tpu.memory_space<hbm>>) target(%arg7 : memref<4x2x128xi32, #tpu.memory_space<vmem>>) target_semaphore(%run_scoped3A_113 : memref<!tpu.dma_semaphore, #tpu.memory_space<semaphore_mem>>)
          %dma_wait3A_122 = arith.constant 0 : i32
          %dma_wait3A_123 = arith.constant 0 : i32
          %dma_wait3A_124 = tpu.memref_slice %arg3[%add3A_24, %arg1, %run_scoped3A, %scan3A_45, %dma_wait3A_122, %dma_wait3A_123] : memref<4x16x2x80x2x128xi32, #tpu.memory_space<hbm>> -> memref<1x1x1x4x2x128xi32, #tpu.memory_space<hbm>>
          %dma_wait3A_125 = tpu.memref_squeeze %dma_wait3A_124 : memref<1x1x1x4x2x128xi32, #tpu.memory_space<hbm>> -> memref<4x2x128xi32, #tpu.memory_space<hbm>>
          %dma_wait3A_126 = arith.constant 0 : i32
          %dma_wait3A_127 = arith.constant 0 : i32
          %dma_wait3A_128 = tpu.memref_slice %arg3[%add3A_24, %arg1, %run_scoped3A, %scan3A_45, %dma_wait3A_126, %dma_wait3A_127] : memref<4x16x2x80x2x128xi32, #tpu.memory_space<hbm>> -> memref<1x1x1x4x2x128xi32, #tpu.memory_space<hbm>>
          %dma_wait3A_129 = tpu.memref_squeeze %dma_wait3A_128 : memref<1x1x1x4x2x128xi32, #tpu.memory_space<hbm>> -> memref<4x2x128xi32, #tpu.memory_space<hbm>>
          tpu.wait_dma2 semaphore(%run_scoped3A_113 : memref<!tpu.dma_semaphore, #tpu.memory_space<semaphore_mem>>) src(%dma_wait3A_129 : memref<4x2x128xi32, #tpu.memory_space<hbm>>) dst(%arg7 : memref<4x2x128xi32, #tpu.memory_space<vmem>>)
          tpu.yield
        }) : () -> ()
      } else {
      }
      %dma_start3A_78 = arith.constant 0 : i32
      %dma_start3A_79 = arith.constant 0 : i32
      %dma_start3A_80 = tpu.memref_slice %arg7[%select_n3A_54, %dma_start3A_78, %dma_start3A_79] : memref<4x2x128xi32, #tpu.memory_space<vmem>> -> memref<1x1x128xi32, #tpu.memory_space<vmem>>
      %dma_start3A_81 = tpu.memref_squeeze %dma_start3A_80 : memref<1x1x128xi32, #tpu.memory_space<vmem>> -> memref<128xi32, #tpu.memory_space<vmem>>
      %dma_start3A_82 = arith.constant 0 : i32
      %dma_start3A_83 = arith.constant 0 : i32
      %dma_start3A_84 = tpu.memref_slice %arg2[%dma_start3A_82, %dma_start3A_83] : memref<40000x128xf32, #tpu.memory_space<hbm>> -> memref<40000x128xf32, #tpu.memory_space<hbm>>
      tpu.enqueue_indirect_dma source(%dma_start3A_84 : memref<40000x128xf32, #tpu.memory_space<hbm>>) target(%arg9 : memref<128x128xf32, #tpu.memory_space<vmem>>) offsets(%dma_start3A_81 : memref<128xi32, #tpu.memory_space<vmem>>) semaphore(%arg12 : memref<!tpu.dma_semaphore, #tpu.memory_space<semaphore_mem>>)
      %dma_wait3A_85 = arith.constant 0 : i32
      %dma_wait3A_86 = arith.constant 0 : i32
      %dma_wait3A_87 = tpu.memref_slice %arg6[%select_n3A_54, %dma_wait3A_85, %dma_wait3A_86] : memref<4x2x128xi32, #tpu.memory_space<vmem>> -> memref<1x1x128xi32, #tpu.memory_space<vmem>>
      %dma_wait3A_88 = tpu.memref_squeeze %dma_wait3A_87 : memref<1x1x128xi32, #tpu.memory_space<vmem>> -> memref<128xi32, #tpu.memory_space<vmem>>
      %dma_wait3A_89 = arith.constant 0 : i32
      %dma_wait3A_90 = arith.constant 0 : i32
      %dma_wait3A_91 = tpu.memref_slice %arg2[%dma_wait3A_89, %dma_wait3A_90] : memref<40000x128xf32, #tpu.memory_space<hbm>> -> memref<40000x128xf32, #tpu.memory_space<hbm>>
      tpu.wait_indirect_dma semaphore(%arg11 : memref<!tpu.dma_semaphore, #tpu.memory_space<semaphore_mem>>) src(%dma_wait3A_91 : memref<40000x128xf32, #tpu.memory_space<hbm>>) dst(%arg8 : memref<128x128xf32, #tpu.memory_space<vmem>>)
      %dma_start3A_92 = arith.constant 1 : i32
      %dma_start3A_93 = arith.constant 0 : i32
      %dma_start3A_94 = tpu.memref_slice %arg6[%select_n3A_54, %dma_start3A_92, %dma_start3A_93] : memref<4x2x128xi32, #tpu.memory_space<vmem>> -> memref<1x1x128xi32, #tpu.memory_space<vmem>>
      %dma_start3A_95 = tpu.memref_squeeze %dma_start3A_94 : memref<1x1x128xi32, #tpu.memory_space<vmem>> -> memref<128xi32, #tpu.memory_space<vmem>>
      %dma_start3A_96 = arith.constant 0 : i32
      %dma_start3A_97 = arith.constant 0 : i32
      %dma_start3A_98 = tpu.memref_slice %arg10[%dma_start3A_96, %dma_start3A_97] : memref<10240x128xf32, #tpu.memory_space<vmem_shared>> -> memref<10240x128xf32, #tpu.memory_space<vmem_shared>>
      tpu.enqueue_indirect_dma source(%arg8 : memref<128x128xf32, #tpu.memory_space<vmem>>) target(%dma_start3A_98 : memref<10240x128xf32, #tpu.memory_space<vmem_shared>>) offsets(%dma_start3A_95 : memref<128xi32, #tpu.memory_space<vmem>>) semaphore(%arg13 : memref<!tpu.dma_semaphore, #tpu.memory_space<semaphore_mem>>) {add = true}
      %dma_wait3A_99 = arith.constant 0 : i32
      %dma_wait3A_100 = arith.constant 0 : i32
      %dma_wait3A_101 = tpu.memref_slice %arg7[%select_n3A_54, %dma_wait3A_99, %dma_wait3A_100] : memref<4x2x128xi32, #tpu.memory_space<vmem>> -> memref<1x1x128xi32, #tpu.memory_space<vmem>>
      %dma_wait3A_102 = tpu.memref_squeeze %dma_wait3A_101 : memref<1x1x128xi32, #tpu.memory_space<vmem>> -> memref<128xi32, #tpu.memory_space<vmem>>
      %dma_wait3A_103 = arith.constant 0 : i32
      %dma_wait3A_104 = arith.constant 0 : i32
      %dma_wait3A_105 = tpu.memref_slice %arg2[%dma_wait3A_103, %dma_wait3A_104] : memref<40000x128xf32, #tpu.memory_space<hbm>> -> memref<40000x128xf32, #tpu.memory_space<hbm>>
      tpu.wait_indirect_dma semaphore(%arg12 : memref<!tpu.dma_semaphore, #tpu.memory_space<semaphore_mem>>) src(%dma_wait3A_105 : memref<40000x128xf32, #tpu.memory_space<hbm>>) dst(%arg9 : memref<128x128xf32, #tpu.memory_space<vmem>>)
      %dma_start3A_106 = arith.constant 1 : i32
      %dma_start3A_107 = arith.constant 0 : i32
      %dma_start3A_108 = tpu.memref_slice %arg7[%select_n3A_54, %dma_start3A_106, %dma_start3A_107] : memref<4x2x128xi32, #tpu.memory_space<vmem>> -> memref<1x1x128xi32, #tpu.memory_space<vmem>>
      %dma_start3A_109 = tpu.memref_squeeze %dma_start3A_108 : memref<1x1x128xi32, #tpu.memory_space<vmem>> -> memref<128xi32, #tpu.memory_space<vmem>>
      %dma_start3A_110 = arith.constant 0 : i32
      %dma_start3A_111 = arith.constant 0 : i32
      %dma_start3A_112 = tpu.memref_slice %arg10[%dma_start3A_110, %dma_start3A_111] : memref<10240x128xf32, #tpu.memory_space<vmem_shared>> -> memref<10240x128xf32, #tpu.memory_space<vmem_shared>>
      tpu.enqueue_indirect_dma source(%arg9 : memref<128x128xf32, #tpu.memory_space<vmem>>) target(%dma_start3A_112 : memref<10240x128xf32, #tpu.memory_space<vmem_shared>>) offsets(%dma_start3A_109 : memref<128xi32, #tpu.memory_space<vmem>>) semaphore(%arg14 : memref<!tpu.dma_semaphore, #tpu.memory_space<semaphore_mem>>) {add = true}
    }
    %scan3A_31 = arith.constant 80 : i32
    %dma_wait3A_32 = arith.constant 0 : i32
    %dma_wait3A_33 = arith.constant 0 : i32
    %dma_wait3A_34 = tpu.memref_slice %arg4[%dma_wait3A_32, %dma_wait3A_33] : memref<640x128xf32, #tpu.memory_space<hbm>> -> memref<128x128xf32, #tpu.memory_space<hbm>>
    %dma_wait3A_35 = arith.constant 0 : i32
    %dma_wait3A_36 = arith.constant 0 : i32
    %dma_wait3A_37 = tpu.memref_slice %arg4[%dma_wait3A_35, %dma_wait3A_36] : memref<640x128xf32, #tpu.memory_space<hbm>> -> memref<128x128xf32, #tpu.memory_space<hbm>>
    tpu.wait_dma2 semaphore(%arg13 : memref<!tpu.dma_semaphore, #tpu.memory_space<semaphore_mem>>) src(%dma_wait3A_37 : memref<128x128xf32, #tpu.memory_space<hbm>>) dst(%arg8 : memref<128x128xf32, #tpu.memory_space<vmem>>)
    %dma_wait3A_38 = arith.constant 0 : i32
    %dma_wait3A_39 = arith.constant 0 : i32
    %dma_wait3A_40 = tpu.memref_slice %arg4[%dma_wait3A_38, %dma_wait3A_39] : memref<640x128xf32, #tpu.memory_space<hbm>> -> memref<128x128xf32, #tpu.memory_space<hbm>>
    %dma_wait3A_41 = arith.constant 0 : i32
    %dma_wait3A_42 = arith.constant 0 : i32
    %dma_wait3A_43 = tpu.memref_slice %arg4[%dma_wait3A_41, %dma_wait3A_42] : memref<640x128xf32, #tpu.memory_space<hbm>> -> memref<128x128xf32, #tpu.memory_space<hbm>>
    tpu.wait_dma2 semaphore(%arg14 : memref<!tpu.dma_semaphore, #tpu.memory_space<semaphore_mem>>) src(%dma_wait3A_43 : memref<128x128xf32, #tpu.memory_space<hbm>>) dst(%arg9 : memref<128x128xf32, #tpu.memory_space<vmem>>)
    %barrier3A_44 = arith.constant 0 : index
    tpu.barrier barrier_id(%barrier3A_44)
    "tpu.region"() ({
      %run_scoped3A = tpu.sem_alloc : memref<!tpu.dma_semaphore, #tpu.memory_space<semaphore_mem>>
      %dma_start3A = arith.constant 0 : i32
      %dma_start3A_45 = tpu.memref_slice %arg5[%add3A_24, %mul3A_0, %dma_start3A] : memref<4x10240x128xf32, #tpu.memory_space<hbm>> -> memref<1x640x128xf32, #tpu.memory_space<hbm>>
      %dma_start3A_46 = tpu.memref_squeeze %dma_start3A_45 : memref<1x640x128xf32, #tpu.memory_space<hbm>> -> memref<640x128xf32, #tpu.memory_space<hbm>>
      %dma_start3A_47 = arith.constant 0 : i32
      %dma_start3A_48 = tpu.memref_slice %arg10[%mul3A_0, %dma_start3A_47] : memref<10240x128xf32, #tpu.memory_space<vmem_shared>> -> memref<640x128xf32, #tpu.memory_space<vmem_shared>>
      tpu.enqueue_dma source(%dma_start3A_48 : memref<640x128xf32, #tpu.memory_space<vmem_shared>>) target(%dma_start3A_46 : memref<640x128xf32, #tpu.memory_space<hbm>>) target_semaphore(%run_scoped3A : memref<!tpu.dma_semaphore, #tpu.memory_space<semaphore_mem>>)
      %dma_wait3A_49 = arith.constant 0 : i32
      %dma_wait3A_50 = tpu.memref_slice %arg5[%add3A_24, %mul3A_0, %dma_wait3A_49] : memref<4x10240x128xf32, #tpu.memory_space<hbm>> -> memref<1x640x128xf32, #tpu.memory_space<hbm>>
      %dma_wait3A_51 = tpu.memref_squeeze %dma_wait3A_50 : memref<1x640x128xf32, #tpu.memory_space<hbm>> -> memref<640x128xf32, #tpu.memory_space<hbm>>
      %dma_wait3A_52 = arith.constant 0 : i32
      %dma_wait3A_53 = tpu.memref_slice %arg10[%mul3A_0, %dma_wait3A_52] : memref<10240x128xf32, #tpu.memory_space<vmem_shared>> -> memref<640x128xf32, #tpu.memory_space<vmem_shared>>
      tpu.wait_dma2 semaphore(%run_scoped3A : memref<!tpu.dma_semaphore, #tpu.memory_space<semaphore_mem>>) src(%dma_wait3A_53 : memref<640x128xf32, #tpu.memory_space<vmem_shared>>) dst(%dma_wait3A_51 : memref<640x128xf32, #tpu.memory_space<hbm>>)
      tpu.yield
    }) : () -> ()
    return
  }
}

#map = affine_map<(d0, d1) -> (0)>
module attributes {stable_mosaic.version = 14 : i64} {
  func.func @k(%arg0: i32, %arg1: i32, %arg2: memref<40960xf32, #tpu.memory_space<hbm>>, %arg3: memref<327680xi32, #tpu.memory_space<hbm>>, %arg4: memref<327680xi32, #tpu.memory_space<hbm>>, %arg5: memref<40960xf32, #tpu.memory_space<hbm>>, %arg6: memref<1310720xf32, #tpu.memory_space<hbm>>, %arg7: memref<40960xf32, #tpu.memory_space<vmem>>, %arg8: memref<40960xf32, #tpu.memory_space<vmem>>, %arg9: memref<10240xi32, #tpu.memory_space<vmem>>, %arg10: memref<10240xi32, #tpu.memory_space<vmem>>) attributes {dimension_semantics = [#tpu.dimension_semantics<core_parallel>, #tpu.dimension_semantics<subcore_parallel>], iteration_bounds = array<i64: 2, 16>, scalar_prefetch = 0 : i64, scratch_operands = 4 : i64, tpu.core_type = #tpu.core_type<sc_vector_subcore>, window_params = [{transform_indices = #map}, {transform_indices = #map}, {transform_indices = #map}, {transform_indices = #map}, {transform_indices = #map}]} {
    %mul3A = arith.constant 16 : i32
    %mul3A_0 = arith.muli %arg0, %mul3A : i32
    %add3A = arith.addi %mul3A_0, %arg1 : i32
    "tpu.region"() ({
      %run_scoped3A = tpu.sem_alloc : memref<!tpu.dma_semaphore, #tpu.memory_space<semaphore_mem>>
      tpu.enqueue_dma source(%arg2 : memref<40960xf32, #tpu.memory_space<hbm>>) target(%arg7 : memref<40960xf32, #tpu.memory_space<vmem>>) target_semaphore(%run_scoped3A : memref<!tpu.dma_semaphore, #tpu.memory_space<semaphore_mem>>)
      tpu.wait_dma2 semaphore(%run_scoped3A : memref<!tpu.dma_semaphore, #tpu.memory_space<semaphore_mem>>) src(%arg2 : memref<40960xf32, #tpu.memory_space<hbm>>) dst(%arg7 : memref<40960xf32, #tpu.memory_space<vmem>>)
      tpu.yield
    }) : () -> ()
    "tpu.region"() ({
      %run_scoped3A = tpu.sem_alloc : memref<!tpu.dma_semaphore, #tpu.memory_space<semaphore_mem>>
      tpu.enqueue_dma source(%arg5 : memref<40960xf32, #tpu.memory_space<hbm>>) target(%arg8 : memref<40960xf32, #tpu.memory_space<vmem>>) target_semaphore(%run_scoped3A : memref<!tpu.dma_semaphore, #tpu.memory_space<semaphore_mem>>)
      tpu.wait_dma2 semaphore(%run_scoped3A : memref<!tpu.dma_semaphore, #tpu.memory_space<semaphore_mem>>) src(%arg5 : memref<40960xf32, #tpu.memory_space<hbm>>) dst(%arg8 : memref<40960xf32, #tpu.memory_space<vmem>>)
      tpu.yield
    }) : () -> ()
    %mul3A_1 = arith.constant 10240 : i32
    %mul3A_2 = arith.muli %add3A, %mul3A_1 : i32
    "tpu.region"() ({
      %run_scoped3A = tpu.sem_alloc : memref<!tpu.dma_semaphore, #tpu.memory_space<semaphore_mem>>
      %dma_start3A = tpu.memref_slice %arg3[%mul3A_2] : memref<327680xi32, #tpu.memory_space<hbm>> -> memref<10240xi32, #tpu.memory_space<hbm>>
      %dma_start3A_12 = tpu.memref_slice %arg3[%mul3A_2] : memref<327680xi32, #tpu.memory_space<hbm>> -> memref<10240xi32, #tpu.memory_space<hbm>>
      tpu.enqueue_dma source(%dma_start3A_12 : memref<10240xi32, #tpu.memory_space<hbm>>) target(%arg9 : memref<10240xi32, #tpu.memory_space<vmem>>) target_semaphore(%run_scoped3A : memref<!tpu.dma_semaphore, #tpu.memory_space<semaphore_mem>>)
      %dma_wait3A = tpu.memref_slice %arg3[%mul3A_2] : memref<327680xi32, #tpu.memory_space<hbm>> -> memref<10240xi32, #tpu.memory_space<hbm>>
      %dma_wait3A_13 = tpu.memref_slice %arg3[%mul3A_2] : memref<327680xi32, #tpu.memory_space<hbm>> -> memref<10240xi32, #tpu.memory_space<hbm>>
      tpu.wait_dma2 semaphore(%run_scoped3A : memref<!tpu.dma_semaphore, #tpu.memory_space<semaphore_mem>>) src(%dma_wait3A_13 : memref<10240xi32, #tpu.memory_space<hbm>>) dst(%arg9 : memref<10240xi32, #tpu.memory_space<vmem>>)
      tpu.yield
    }) : () -> ()
    %mul3A_3 = arith.constant 10240 : i32
    %mul3A_4 = arith.muli %add3A, %mul3A_3 : i32
    "tpu.region"() ({
      %run_scoped3A = tpu.sem_alloc : memref<!tpu.dma_semaphore, #tpu.memory_space<semaphore_mem>>
      %dma_start3A = tpu.memref_slice %arg4[%mul3A_4] : memref<327680xi32, #tpu.memory_space<hbm>> -> memref<10240xi32, #tpu.memory_space<hbm>>
      %dma_start3A_12 = tpu.memref_slice %arg4[%mul3A_4] : memref<327680xi32, #tpu.memory_space<hbm>> -> memref<10240xi32, #tpu.memory_space<hbm>>
      tpu.enqueue_dma source(%dma_start3A_12 : memref<10240xi32, #tpu.memory_space<hbm>>) target(%arg10 : memref<10240xi32, #tpu.memory_space<vmem>>) target_semaphore(%run_scoped3A : memref<!tpu.dma_semaphore, #tpu.memory_space<semaphore_mem>>)
      %dma_wait3A = tpu.memref_slice %arg4[%mul3A_4] : memref<327680xi32, #tpu.memory_space<hbm>> -> memref<10240xi32, #tpu.memory_space<hbm>>
      %dma_wait3A_13 = tpu.memref_slice %arg4[%mul3A_4] : memref<327680xi32, #tpu.memory_space<hbm>> -> memref<10240xi32, #tpu.memory_space<hbm>>
      tpu.wait_dma2 semaphore(%run_scoped3A : memref<!tpu.dma_semaphore, #tpu.memory_space<semaphore_mem>>) src(%dma_wait3A_13 : memref<10240xi32, #tpu.memory_space<hbm>>) dst(%arg10 : memref<10240xi32, #tpu.memory_space<vmem>>)
      tpu.yield
    }) : () -> ()
    %scan3A = arith.constant 0 : i32
    %scan3A_5 = arith.constant 0 : i32
    %scan3A_6 = arith.constant 640 : i32
    %scan3A_7 = arith.addi %scan3A_5, %scan3A_6 : i32
    %scan3A_8 = arith.constant 1 : i32
    scf.for %scan3A_12 = %scan3A_5 to %scan3A_7 step %scan3A_8  : i32 {
      %mul3A_13 = arith.constant 16 : i32
      %mul3A_14 = arith.muli %scan3A_12, %mul3A_13 : i32
      %get3A = arith.index_cast %mul3A_14 : i32 to index
      %get3A_15 = tpu.vector_load %arg9[%get3A] {strides = array<i32>} : memref<10240xi32, #tpu.memory_space<vmem>>, vector<16xi32>,
      %mul3A_16 = arith.constant 4 : i32
      %mul3A_17 = vector.broadcast %mul3A_16 : i32 to vector<16xi32>
      %mul3A_18 = arith.muli %get3A_15, %mul3A_17 : vector<16xi32>
      %mul3A_19 = arith.constant 16 : i32
      %mul3A_20 = arith.muli %scan3A_12, %mul3A_19 : i32
      %get3A_21 = arith.index_cast %mul3A_20 : i32 to index
      %get3A_22 = tpu.vector_load %arg10[%get3A_21] {strides = array<i32>} : memref<10240xi32, #tpu.memory_space<vmem>>, vector<16xi32>,
      %mul3A_23 = arith.constant 4 : i32
      %mul3A_24 = vector.broadcast %mul3A_23 : i32 to vector<16xi32>
      %mul3A_25 = arith.muli %get3A_22, %mul3A_24 : vector<16xi32>
      %add3A_26 = arith.constant 0 : i32
      %add3A_27 = vector.broadcast %add3A_26 : i32 to vector<16xi32>
      %add3A_28 = arith.addi %mul3A_18, %add3A_27 : vector<16xi32>
      %gather3A = tpu.vector_load_idx %arg7[%add3A_28] : memref<40960xf32, #tpu.memory_space<vmem>>[vector<16xi32>], vector<16xf32>,
      %add3A_29 = arith.constant 0 : i32
      %add3A_30 = vector.broadcast %add3A_29 : i32 to vector<16xi32>
      %add3A_31 = arith.addi %mul3A_25, %add3A_30 : vector<16xi32>
      tpu.vector_store_idx %arg8[%add3A_31], %gather3A {add = true} : memref<40960xf32, #tpu.memory_space<vmem>>[vector<16xi32>], vector<16xf32>,
      %add3A_32 = arith.constant 1 : i32
      %add3A_33 = vector.broadcast %add3A_32 : i32 to vector<16xi32>
      %add3A_34 = arith.addi %mul3A_18, %add3A_33 : vector<16xi32>
      %gather3A_35 = tpu.vector_load_idx %arg7[%add3A_34] : memref<40960xf32, #tpu.memory_space<vmem>>[vector<16xi32>], vector<16xf32>,
      %add3A_36 = arith.constant 1 : i32
      %add3A_37 = vector.broadcast %add3A_36 : i32 to vector<16xi32>
      %add3A_38 = arith.addi %mul3A_25, %add3A_37 : vector<16xi32>
      tpu.vector_store_idx %arg8[%add3A_38], %gather3A_35 {add = true} : memref<40960xf32, #tpu.memory_space<vmem>>[vector<16xi32>], vector<16xf32>,
      %add3A_39 = arith.constant 2 : i32
      %add3A_40 = vector.broadcast %add3A_39 : i32 to vector<16xi32>
      %add3A_41 = arith.addi %mul3A_18, %add3A_40 : vector<16xi32>
      %gather3A_42 = tpu.vector_load_idx %arg7[%add3A_41] : memref<40960xf32, #tpu.memory_space<vmem>>[vector<16xi32>], vector<16xf32>,
      %add3A_43 = arith.constant 2 : i32
      %add3A_44 = vector.broadcast %add3A_43 : i32 to vector<16xi32>
      %add3A_45 = arith.addi %mul3A_25, %add3A_44 : vector<16xi32>
      tpu.vector_store_idx %arg8[%add3A_45], %gather3A_42 {add = true} : memref<40960xf32, #tpu.memory_space<vmem>>[vector<16xi32>], vector<16xf32>,
      %add3A_46 = arith.constant 3 : i32
      %add3A_47 = vector.broadcast %add3A_46 : i32 to vector<16xi32>
      %add3A_48 = arith.addi %mul3A_18, %add3A_47 : vector<16xi32>
      %gather3A_49 = tpu.vector_load_idx %arg7[%add3A_48] : memref<40960xf32, #tpu.memory_space<vmem>>[vector<16xi32>], vector<16xf32>,
      %add3A_50 = arith.constant 3 : i32
      %add3A_51 = vector.broadcast %add3A_50 : i32 to vector<16xi32>
      %add3A_52 = arith.addi %mul3A_25, %add3A_51 : vector<16xi32>
      tpu.vector_store_idx %arg8[%add3A_52], %gather3A_49 {add = true} : memref<40960xf32, #tpu.memory_space<vmem>>[vector<16xi32>], vector<16xf32>,
    }
    %scan3A_9 = arith.constant 640 : i32
    %mul3A_10 = arith.constant 40960 : i32
    %mul3A_11 = arith.muli %add3A, %mul3A_10 : i32
    "tpu.region"() ({
      %run_scoped3A = tpu.sem_alloc : memref<!tpu.dma_semaphore, #tpu.memory_space<semaphore_mem>>
      %dma_start3A = tpu.memref_slice %arg6[%mul3A_11] : memref<1310720xf32, #tpu.memory_space<hbm>> -> memref<40960xf32, #tpu.memory_space<hbm>>
      %dma_start3A_12 = tpu.memref_slice %arg6[%mul3A_11] : memref<1310720xf32, #tpu.memory_space<hbm>> -> memref<40960xf32, #tpu.memory_space<hbm>>
      tpu.enqueue_dma source(%arg8 : memref<40960xf32, #tpu.memory_space<vmem>>) target(%dma_start3A_12 : memref<40960xf32, #tpu.memory_space<hbm>>) target_semaphore(%run_scoped3A : memref<!tpu.dma_semaphore, #tpu.memory_space<semaphore_mem>>)
      %dma_wait3A = tpu.memref_slice %arg6[%mul3A_11] : memref<1310720xf32, #tpu.memory_space<hbm>> -> memref<40960xf32, #tpu.memory_space<hbm>>
      %dma_wait3A_13 = tpu.memref_slice %arg6[%mul3A_11] : memref<1310720xf32, #tpu.memory_space<hbm>> -> memref<40960xf32, #tpu.memory_space<hbm>>
      tpu.wait_dma2 semaphore(%run_scoped3A : memref<!tpu.dma_semaphore, #tpu.memory_space<semaphore_mem>>) src(%arg8 : memref<40960xf32, #tpu.memory_space<vmem>>) dst(%dma_wait3A_13 : memref<40960xf32, #tpu.memory_space<hbm>>)
      tpu.yield
    }) : () -> ()
    return
  }
}

module attributes {stable_mosaic.version = 14 : i64} {
  func.func @_mm1_body(%arg0: i32, %arg1: memref<2000x128xf32, #tpu.memory_space<vmem>>, %arg2: memref<128x128xf32, #tpu.memory_space<vmem>>, %arg3: memref<2000x128xf32, #tpu.memory_space<vmem>>) attributes {dimension_semantics = [#tpu.dimension_semantics<arbitrary>], iteration_bounds = array<i64: 20>, scalar_prefetch = 0 : i64, scratch_operands = 0 : i64, tpu.core_type = #tpu.core_type<tc>, window_params = [{transform_indices = @transform_0, window_bounds = array<i64: 2000, 128>}, {pipeline_mode = #tpu.pipeline_mode<synchronous>, transform_indices = @transform_1, window_bounds = array<i64: 128, 128>}, {transform_indices = @transform_2, window_bounds = array<i64: 2000, 128>}]} {
    %get3A = arith.constant 0 : index
    %get3A_0 = arith.constant 0 : index
    %get3A_1 = vector.load %arg1[%get3A, %get3A_0] : memref<2000x128xf32, #tpu.memory_space<vmem>>, vector<2000x128xf32>
    %get3A_2 = arith.constant 0 : index
    %get3A_3 = arith.constant 0 : index
    %get3A_4 = vector.load %arg2[%get3A_2, %get3A_3] : memref<128x128xf32, #tpu.memory_space<vmem>>, vector<128x128xf32>
    %dot_general3A = arith.constant dense<0.000000e+00> : vector<2000x128xf32>
    %dot_general3A_5 = tpu.matmul %get3A_1, %get3A_4, %dot_general3A {dimension_numbers = #tpu.dot_dimension_numbers<[1], [0], [0], [1], [0, 0, 1, 1], [], []>, transpose_lhs_hint = false} : vector<2000x128xf32>, vector<128x128xf32>, vector<2000x128xf32> -> vector<2000x128xf32>
    %swap3A = arith.constant 0 : index
    %swap3A_6 = arith.constant 0 : index
    %swap3A_7 = vector.load %arg3[%swap3A, %swap3A_6] : memref<2000x128xf32, #tpu.memory_space<vmem>>, vector<2000x128xf32>
    tpu.vector_store %arg3[%swap3A, %swap3A_6], %dot_general3A_5 {strides = array<i32>} : memref<2000x128xf32, #tpu.memory_space<vmem>>, vector<2000x128xf32>,
    return
  }
  func.func @transform_0(%arg0: i32) -> (i32, i32) {
    %c0_i32 = arith.constant 0 : i32
    %c0_i32_0 = arith.constant 0 : i32
    return %arg0, %c0_i32 : i32, i32
  }
  func.func @transform_1(%arg0: i32) -> (i32, i32) {
    %c0_i32 = arith.constant 0 : i32
    %c0_i32_0 = arith.constant 0 : i32
    %c0_i32_1 = arith.constant 0 : i32
    return %c0_i32, %c0_i32_0 : i32, i32
  }
  func.func @transform_2(%arg0: i32) -> (i32, i32) {
    %c0_i32 = arith.constant 0 : i32
    %c0_i32_0 = arith.constant 0 : i32
    return %arg0, %c0_i32 : i32, i32
  }
}

module attributes {stable_mosaic.version = 14 : i64} {
  func.func @_mm2_body(%arg0: i32, %arg1: memref<4096x128xf32, #tpu.memory_space<vmem>>, %arg2: memref<1x128xf32, #tpu.memory_space<vmem>>, %arg3: memref<1x128xf32, #tpu.memory_space<vmem>>, %arg4: memref<4096x1xf32, #tpu.memory_space<vmem>>) attributes {dimension_semantics = [#tpu.dimension_semantics<arbitrary>], iteration_bounds = array<i64: 10>, scalar_prefetch = 0 : i64, scratch_operands = 0 : i64, tpu.core_type = #tpu.core_type<tc>, window_params = [{transform_indices = @transform_0, window_bounds = array<i64: 4096, 128>}, {pipeline_mode = #tpu.pipeline_mode<synchronous>, transform_indices = @transform_1, window_bounds = array<i64: 1, 128>}, {pipeline_mode = #tpu.pipeline_mode<synchronous>, transform_indices = @transform_2, window_bounds = array<i64: 1, 128>}, {transform_indices = @transform_3, window_bounds = array<i64: 4096, 1>}]} {
    %get3A = arith.constant 0 : index
    %get3A_0 = arith.constant 0 : index
    %get3A_1 = vector.load %arg1[%get3A, %get3A_0] : memref<4096x128xf32, #tpu.memory_space<vmem>>, vector<4096x128xf32>
    %get3A_2 = arith.constant 0 : index
    %get3A_3 = arith.constant 0 : index
    %get3A_4 = vector.load %arg2[%get3A_2, %get3A_3] : memref<1x128xf32, #tpu.memory_space<vmem>>, vector<1x128xf32>
    %add3A = vector.broadcast %get3A_4 : vector<1x128xf32> to vector<4096x128xf32>
    %add3A_5 = arith.addf %get3A_1, %add3A : vector<4096x128xf32>
    %tanh3A = math.tanh %add3A_5 : vector<4096x128xf32>
    %get3A_6 = arith.constant 0 : index
    %get3A_7 = arith.constant 0 : index
    %get3A_8 = vector.load %arg3[%get3A_6, %get3A_7] : memref<1x128xf32, #tpu.memory_space<vmem>>, vector<1x128xf32>
    %mul3A = vector.broadcast %get3A_8 : vector<1x128xf32> to vector<4096x128xf32>
    %mul3A_9 = arith.mulf %tanh3A, %mul3A : vector<4096x128xf32>
    %reduce_sum3A = arith.constant dense<0.000000e+00> : vector<4096xf32>
    %reduce_sum3A_10 = vector.multi_reduction <add>, %mul3A_9, %reduce_sum3A [1] : vector<4096x128xf32> to vector<4096xf32>
    %broadcast_in_dim3A = vector.shape_cast %reduce_sum3A_10 : vector<4096xf32> to vector<4096x1xf32>
    %swap3A = arith.constant 0 : index
    %swap3A_11 = arith.constant 0 : index
    %swap3A_12 = vector.load %arg4[%swap3A, %swap3A_11] : memref<4096x1xf32, #tpu.memory_space<vmem>>, vector<4096x1xf32>
    tpu.vector_store %arg4[%swap3A, %swap3A_11], %broadcast_in_dim3A {strides = array<i32>} : memref<4096x1xf32, #tpu.memory_space<vmem>>, vector<4096x1xf32>,
    return
  }
  func.func @transform_0(%arg0: i32) -> (i32, i32) {
    %c0_i32 = arith.constant 0 : i32
    %c0_i32_0 = arith.constant 0 : i32
    return %arg0, %c0_i32 : i32, i32
  }
  func.func @transform_1(%arg0: i32) -> (i32, i32) {
    %c0_i32 = arith.constant 0 : i32
    %c0_i32_0 = arith.constant 0 : i32
    %c0_i32_1 = arith.constant 0 : i32
    return %c0_i32, %c0_i32_0 : i32, i32
  }
  func.func @transform_2(%arg0: i32) -> (i32, i32) {
    %c0_i32 = arith.constant 0 : i32
    %c0_i32_0 = arith.constant 0 : i32
    %c0_i32_1 = arith.constant 0 : i32
    return %c0_i32, %c0_i32_0 : i32, i32
  }
  func.func @transform_3(%arg0: i32) -> (i32, i32) {
    %c0_i32 = arith.constant 0 : i32
    %c0_i32_0 = arith.constant 0 : i32
    return %arg0, %c0_i32 : i32, i32
  }
}

module attributes {stable_mosaic.version = 14 : i64} {
  func.func @_att_body(%arg0: i32, %arg1: memref<32x4x10240xf32, #tpu.memory_space<vmem>>, %arg2: memref<1x1xf32, #tpu.memory_space<vmem>>, %arg3: memref<4x10000x128xf32, #tpu.memory_space<vmem>>, %arg4: memref<4x128xf32, #tpu.memory_space<vmem>>, %arg5: memref<4x10240xf32, #tpu.memory_space<vmem>>) attributes {dimension_semantics = [#tpu.dimension_semantics<arbitrary>], iteration_bounds = array<i64: 1>, scalar_prefetch = 0 : i64, scratch_operands = 0 : i64, tpu.core_type = #tpu.core_type<tc>, window_params = [{pipeline_mode = #tpu.pipeline_mode<synchronous>, transform_indices = @transform_0, window_bounds = array<i64: 32, 4, 10240>}, {pipeline_mode = #tpu.pipeline_mode<synchronous>, transform_indices = @transform_1, window_bounds = array<i64: 1, 1>}, {pipeline_mode = #tpu.pipeline_mode<synchronous>, transform_indices = @transform_2, window_bounds = array<i64: 4, 10000, 128>}, {pipeline_mode = #tpu.pipeline_mode<synchronous>, transform_indices = @transform_3, window_bounds = array<i64: 4, 128>}, {pipeline_mode = #tpu.pipeline_mode<synchronous>, transform_indices = @transform_4, window_bounds = array<i64: 4, 10240>}]} {
    %get3A = arith.constant 0 : index
    %get3A_0 = arith.constant 0 : index
    %get3A_1 = arith.constant 0 : index
    %get3A_2 = vector.load %arg1[%get3A, %get3A_0, %get3A_1] : memref<32x4x10240xf32, #tpu.memory_space<vmem>>, vector<1x4x10240xf32>
    %get3A_3 = vector.shape_cast %get3A_2 : vector<1x4x10240xf32> to vector<4x10240xf32>
    %get3A_4 = arith.constant 0 : index
    %get3A_5 = arith.constant 0 : index
    %get3A_6 = vector.load %arg2[%get3A_4, %get3A_5] : memref<1x1xf32, #tpu.memory_space<vmem>>, vector<1x1xf32>
    %add3A = vector.broadcast %get3A_6 : vector<1x1xf32> to vector<4x10240xf32>
    %add3A_7 = arith.addf %get3A_3, %add3A : vector<4x10240xf32>
    %get3A_8 = arith.constant 1 : index
    %get3A_9 = arith.constant 0 : index
    %get3A_10 = arith.constant 0 : index
    %get3A_11 = vector.load %arg1[%get3A_8, %get3A_9, %get3A_10] : memref<32x4x10240xf32, #tpu.memory_space<vmem>>, vector<1x4x10240xf32>
    %get3A_12 = vector.shape_cast %get3A_11 : vector<1x4x10240xf32> to vector<4x10240xf32>
    %add3A_13 = arith.addf %add3A_7, %get3A_12 : vector<4x10240xf32>
    %get3A_14 = arith.constant 2 : index
    %get3A_15 = arith.constant 0 : index
    %get3A_16 = arith.constant 0 : index
    %get3A_17 = vector.load %arg1[%get3A_14, %get3A_15, %get3A_16] : memref<32x4x10240xf32, #tpu.memory_space<vmem>>, vector<1x4x10240xf32>
    %get3A_18 = vector.shape_cast %get3A_17 : vector<1x4x10240xf32> to vector<4x10240xf32>
    %add3A_19 = arith.addf %add3A_13, %get3A_18 : vector<4x10240xf32>
    %get3A_20 = arith.constant 3 : index
    %get3A_21 = arith.constant 0 : index
    %get3A_22 = arith.constant 0 : index
    %get3A_23 = vector.load %arg1[%get3A_20, %get3A_21, %get3A_22] : memref<32x4x10240xf32, #tpu.memory_space<vmem>>, vector<1x4x10240xf32>
    %get3A_24 = vector.shape_cast %get3A_23 : vector<1x4x10240xf32> to vector<4x10240xf32>
    %add3A_25 = arith.addf %add3A_19, %get3A_24 : vector<4x10240xf32>
    %get3A_26 = arith.constant 4 : index
    %get3A_27 = arith.constant 0 : index
    %get3A_28 = arith.constant 0 : index
    %get3A_29 = vector.load %arg1[%get3A_26, %get3A_27, %get3A_28] : memref<32x4x10240xf32, #tpu.memory_space<vmem>>, vector<1x4x10240xf32>
    %get3A_30 = vector.shape_cast %get3A_29 : vector<1x4x10240xf32> to vector<4x10240xf32>
    %add3A_31 = arith.addf %add3A_25, %get3A_30 : vector<4x10240xf32>
    %get3A_32 = arith.constant 5 : index
    %get3A_33 = arith.constant 0 : index
    %get3A_34 = arith.constant 0 : index
    %get3A_35 = vector.load %arg1[%get3A_32, %get3A_33, %get3A_34] : memref<32x4x10240xf32, #tpu.memory_space<vmem>>, vector<1x4x10240xf32>
    %get3A_36 = vector.shape_cast %get3A_35 : vector<1x4x10240xf32> to vector<4x10240xf32>
    %add3A_37 = arith.addf %add3A_31, %get3A_36 : vector<4x10240xf32>
    %get3A_38 = arith.constant 6 : index
    %get3A_39 = arith.constant 0 : index
    %get3A_40 = arith.constant 0 : index
    %get3A_41 = vector.load %arg1[%get3A_38, %get3A_39, %get3A_40] : memref<32x4x10240xf32, #tpu.memory_space<vmem>>, vector<1x4x10240xf32>
    %get3A_42 = vector.shape_cast %get3A_41 : vector<1x4x10240xf32> to vector<4x10240xf32>
    %add3A_43 = arith.addf %add3A_37, %get3A_42 : vector<4x10240xf32>
    %get3A_44 = arith.constant 7 : index
    %get3A_45 = arith.constant 0 : index
    %get3A_46 = arith.constant 0 : index
    %get3A_47 = vector.load %arg1[%get3A_44, %get3A_45, %get3A_46] : memref<32x4x10240xf32, #tpu.memory_space<vmem>>, vector<1x4x10240xf32>
    %get3A_48 = vector.shape_cast %get3A_47 : vector<1x4x10240xf32> to vector<4x10240xf32>
    %add3A_49 = arith.addf %add3A_43, %get3A_48 : vector<4x10240xf32>
    %get3A_50 = arith.constant 8 : index
    %get3A_51 = arith.constant 0 : index
    %get3A_52 = arith.constant 0 : index
    %get3A_53 = vector.load %arg1[%get3A_50, %get3A_51, %get3A_52] : memref<32x4x10240xf32, #tpu.memory_space<vmem>>, vector<1x4x10240xf32>
    %get3A_54 = vector.shape_cast %get3A_53 : vector<1x4x10240xf32> to vector<4x10240xf32>
    %add3A_55 = arith.addf %add3A_49, %get3A_54 : vector<4x10240xf32>
    %get3A_56 = arith.constant 9 : index
    %get3A_57 = arith.constant 0 : index
    %get3A_58 = arith.constant 0 : index
    %get3A_59 = vector.load %arg1[%get3A_56, %get3A_57, %get3A_58] : memref<32x4x10240xf32, #tpu.memory_space<vmem>>, vector<1x4x10240xf32>
    %get3A_60 = vector.shape_cast %get3A_59 : vector<1x4x10240xf32> to vector<4x10240xf32>
    %add3A_61 = arith.addf %add3A_55, %get3A_60 : vector<4x10240xf32>
    %get3A_62 = arith.constant 10 : index
    %get3A_63 = arith.constant 0 : index
    %get3A_64 = arith.constant 0 : index
    %get3A_65 = vector.load %arg1[%get3A_62, %get3A_63, %get3A_64] : memref<32x4x10240xf32, #tpu.memory_space<vmem>>, vector<1x4x10240xf32>
    %get3A_66 = vector.shape_cast %get3A_65 : vector<1x4x10240xf32> to vector<4x10240xf32>
    %add3A_67 = arith.addf %add3A_61, %get3A_66 : vector<4x10240xf32>
    %get3A_68 = arith.constant 11 : index
    %get3A_69 = arith.constant 0 : index
    %get3A_70 = arith.constant 0 : index
    %get3A_71 = vector.load %arg1[%get3A_68, %get3A_69, %get3A_70] : memref<32x4x10240xf32, #tpu.memory_space<vmem>>, vector<1x4x10240xf32>
    %get3A_72 = vector.shape_cast %get3A_71 : vector<1x4x10240xf32> to vector<4x10240xf32>
    %add3A_73 = arith.addf %add3A_67, %get3A_72 : vector<4x10240xf32>
    %get3A_74 = arith.constant 12 : index
    %get3A_75 = arith.constant 0 : index
    %get3A_76 = arith.constant 0 : index
    %get3A_77 = vector.load %arg1[%get3A_74, %get3A_75, %get3A_76] : memref<32x4x10240xf32, #tpu.memory_space<vmem>>, vector<1x4x10240xf32>
    %get3A_78 = vector.shape_cast %get3A_77 : vector<1x4x10240xf32> to vector<4x10240xf32>
    %add3A_79 = arith.addf %add3A_73, %get3A_78 : vector<4x10240xf32>
    %get3A_80 = arith.constant 13 : index
    %get3A_81 = arith.constant 0 : index
    %get3A_82 = arith.constant 0 : index
    %get3A_83 = vector.load %arg1[%get3A_80, %get3A_81, %get3A_82] : memref<32x4x10240xf32, #tpu.memory_space<vmem>>, vector<1x4x10240xf32>
    %get3A_84 = vector.shape_cast %get3A_83 : vector<1x4x10240xf32> to vector<4x10240xf32>
    %add3A_85 = arith.addf %add3A_79, %get3A_84 : vector<4x10240xf32>
    %get3A_86 = arith.constant 14 : index
    %get3A_87 = arith.constant 0 : index
    %get3A_88 = arith.constant 0 : index
    %get3A_89 = vector.load %arg1[%get3A_86, %get3A_87, %get3A_88] : memref<32x4x10240xf32, #tpu.memory_space<vmem>>, vector<1x4x10240xf32>
    %get3A_90 = vector.shape_cast %get3A_89 : vector<1x4x10240xf32> to vector<4x10240xf32>
    %add3A_91 = arith.addf %add3A_85, %get3A_90 : vector<4x10240xf32>
    %get3A_92 = arith.constant 15 : index
    %get3A_93 = arith.constant 0 : index
    %get3A_94 = arith.constant 0 : index
    %get3A_95 = vector.load %arg1[%get3A_92, %get3A_93, %get3A_94] : memref<32x4x10240xf32, #tpu.memory_space<vmem>>, vector<1x4x10240xf32>
    %get3A_96 = vector.shape_cast %get3A_95 : vector<1x4x10240xf32> to vector<4x10240xf32>
    %add3A_97 = arith.addf %add3A_91, %get3A_96 : vector<4x10240xf32>
    %get3A_98 = arith.constant 16 : index
    %get3A_99 = arith.constant 0 : index
    %get3A_100 = arith.constant 0 : index
    %get3A_101 = vector.load %arg1[%get3A_98, %get3A_99, %get3A_100] : memref<32x4x10240xf32, #tpu.memory_space<vmem>>, vector<1x4x10240xf32>
    %get3A_102 = vector.shape_cast %get3A_101 : vector<1x4x10240xf32> to vector<4x10240xf32>
    %add3A_103 = arith.addf %add3A_97, %get3A_102 : vector<4x10240xf32>
    %get3A_104 = arith.constant 17 : index
    %get3A_105 = arith.constant 0 : index
    %get3A_106 = arith.constant 0 : index
    %get3A_107 = vector.load %arg1[%get3A_104, %get3A_105, %get3A_106] : memref<32x4x10240xf32, #tpu.memory_space<vmem>>, vector<1x4x10240xf32>
    %get3A_108 = vector.shape_cast %get3A_107 : vector<1x4x10240xf32> to vector<4x10240xf32>
    %add3A_109 = arith.addf %add3A_103, %get3A_108 : vector<4x10240xf32>
    %get3A_110 = arith.constant 18 : index
    %get3A_111 = arith.constant 0 : index
    %get3A_112 = arith.constant 0 : index
    %get3A_113 = vector.load %arg1[%get3A_110, %get3A_111, %get3A_112] : memref<32x4x10240xf32, #tpu.memory_space<vmem>>, vector<1x4x10240xf32>
    %get3A_114 = vector.shape_cast %get3A_113 : vector<1x4x10240xf32> to vector<4x10240xf32>
    %add3A_115 = arith.addf %add3A_109, %get3A_114 : vector<4x10240xf32>
    %get3A_116 = arith.constant 19 : index
    %get3A_117 = arith.constant 0 : index
    %get3A_118 = arith.constant 0 : index
    %get3A_119 = vector.load %arg1[%get3A_116, %get3A_117, %get3A_118] : memref<32x4x10240xf32, #tpu.memory_space<vmem>>, vector<1x4x10240xf32>
    %get3A_120 = vector.shape_cast %get3A_119 : vector<1x4x10240xf32> to vector<4x10240xf32>
    %add3A_121 = arith.addf %add3A_115, %get3A_120 : vector<4x10240xf32>
    %get3A_122 = arith.constant 20 : index
    %get3A_123 = arith.constant 0 : index
    %get3A_124 = arith.constant 0 : index
    %get3A_125 = vector.load %arg1[%get3A_122, %get3A_123, %get3A_124] : memref<32x4x10240xf32, #tpu.memory_space<vmem>>, vector<1x4x10240xf32>
    %get3A_126 = vector.shape_cast %get3A_125 : vector<1x4x10240xf32> to vector<4x10240xf32>
    %add3A_127 = arith.addf %add3A_121, %get3A_126 : vector<4x10240xf32>
    %get3A_128 = arith.constant 21 : index
    %get3A_129 = arith.constant 0 : index
    %get3A_130 = arith.constant 0 : index
    %get3A_131 = vector.load %arg1[%get3A_128, %get3A_129, %get3A_130] : memref<32x4x10240xf32, #tpu.memory_space<vmem>>, vector<1x4x10240xf32>
    %get3A_132 = vector.shape_cast %get3A_131 : vector<1x4x10240xf32> to vector<4x10240xf32>
    %add3A_133 = arith.addf %add3A_127, %get3A_132 : vector<4x10240xf32>
    %get3A_134 = arith.constant 22 : index
    %get3A_135 = arith.constant 0 : index
    %get3A_136 = arith.constant 0 : index
    %get3A_137 = vector.load %arg1[%get3A_134, %get3A_135, %get3A_136] : memref<32x4x10240xf32, #tpu.memory_space<vmem>>, vector<1x4x10240xf32>
    %get3A_138 = vector.shape_cast %get3A_137 : vector<1x4x10240xf32> to vector<4x10240xf32>
    %add3A_139 = arith.addf %add3A_133, %get3A_138 : vector<4x10240xf32>
    %get3A_140 = arith.constant 23 : index
    %get3A_141 = arith.constant 0 : index
    %get3A_142 = arith.constant 0 : index
    %get3A_143 = vector.load %arg1[%get3A_140, %get3A_141, %get3A_142] : memref<32x4x10240xf32, #tpu.memory_space<vmem>>, vector<1x4x10240xf32>
    %get3A_144 = vector.shape_cast %get3A_143 : vector<1x4x10240xf32> to vector<4x10240xf32>
    %add3A_145 = arith.addf %add3A_139, %get3A_144 : vector<4x10240xf32>
    %get3A_146 = arith.constant 24 : index
    %get3A_147 = arith.constant 0 : index
    %get3A_148 = arith.constant 0 : index
    %get3A_149 = vector.load %arg1[%get3A_146, %get3A_147, %get3A_148] : memref<32x4x10240xf32, #tpu.memory_space<vmem>>, vector<1x4x10240xf32>
    %get3A_150 = vector.shape_cast %get3A_149 : vector<1x4x10240xf32> to vector<4x10240xf32>
    %add3A_151 = arith.addf %add3A_145, %get3A_150 : vector<4x10240xf32>
    %get3A_152 = arith.constant 25 : index
    %get3A_153 = arith.constant 0 : index
    %get3A_154 = arith.constant 0 : index
    %get3A_155 = vector.load %arg1[%get3A_152, %get3A_153, %get3A_154] : memref<32x4x10240xf32, #tpu.memory_space<vmem>>, vector<1x4x10240xf32>
    %get3A_156 = vector.shape_cast %get3A_155 : vector<1x4x10240xf32> to vector<4x10240xf32>
    %add3A_157 = arith.addf %add3A_151, %get3A_156 : vector<4x10240xf32>
    %get3A_158 = arith.constant 26 : index
    %get3A_159 = arith.constant 0 : index
    %get3A_160 = arith.constant 0 : index
    %get3A_161 = vector.load %arg1[%get3A_158, %get3A_159, %get3A_160] : memref<32x4x10240xf32, #tpu.memory_space<vmem>>, vector<1x4x10240xf32>
    %get3A_162 = vector.shape_cast %get3A_161 : vector<1x4x10240xf32> to vector<4x10240xf32>
    %add3A_163 = arith.addf %add3A_157, %get3A_162 : vector<4x10240xf32>
    %get3A_164 = arith.constant 27 : index
    %get3A_165 = arith.constant 0 : index
    %get3A_166 = arith.constant 0 : index
    %get3A_167 = vector.load %arg1[%get3A_164, %get3A_165, %get3A_166] : memref<32x4x10240xf32, #tpu.memory_space<vmem>>, vector<1x4x10240xf32>
    %get3A_168 = vector.shape_cast %get3A_167 : vector<1x4x10240xf32> to vector<4x10240xf32>
    %add3A_169 = arith.addf %add3A_163, %get3A_168 : vector<4x10240xf32>
    %get3A_170 = arith.constant 28 : index
    %get3A_171 = arith.constant 0 : index
    %get3A_172 = arith.constant 0 : index
    %get3A_173 = vector.load %arg1[%get3A_170, %get3A_171, %get3A_172] : memref<32x4x10240xf32, #tpu.memory_space<vmem>>, vector<1x4x10240xf32>
    %get3A_174 = vector.shape_cast %get3A_173 : vector<1x4x10240xf32> to vector<4x10240xf32>
    %add3A_175 = arith.addf %add3A_169, %get3A_174 : vector<4x10240xf32>
    %get3A_176 = arith.constant 29 : index
    %get3A_177 = arith.constant 0 : index
    %get3A_178 = arith.constant 0 : index
    %get3A_179 = vector.load %arg1[%get3A_176, %get3A_177, %get3A_178] : memref<32x4x10240xf32, #tpu.memory_space<vmem>>, vector<1x4x10240xf32>
    %get3A_180 = vector.shape_cast %get3A_179 : vector<1x4x10240xf32> to vector<4x10240xf32>
    %add3A_181 = arith.addf %add3A_175, %get3A_180 : vector<4x10240xf32>
    %get3A_182 = arith.constant 30 : index
    %get3A_183 = arith.constant 0 : index
    %get3A_184 = arith.constant 0 : index
    %get3A_185 = vector.load %arg1[%get3A_182, %get3A_183, %get3A_184] : memref<32x4x10240xf32, #tpu.memory_space<vmem>>, vector<1x4x10240xf32>
    %get3A_186 = vector.shape_cast %get3A_185 : vector<1x4x10240xf32> to vector<4x10240xf32>
    %add3A_187 = arith.addf %add3A_181, %get3A_186 : vector<4x10240xf32>
    %get3A_188 = arith.constant 31 : index
    %get3A_189 = arith.constant 0 : index
    %get3A_190 = arith.constant 0 : index
    %get3A_191 = vector.load %arg1[%get3A_188, %get3A_189, %get3A_190] : memref<32x4x10240xf32, #tpu.memory_space<vmem>>, vector<1x4x10240xf32>
    %get3A_192 = vector.shape_cast %get3A_191 : vector<1x4x10240xf32> to vector<4x10240xf32>
    %add3A_193 = arith.addf %add3A_187, %get3A_192 : vector<4x10240xf32>
    %swap3A = arith.constant 0 : index
    %swap3A_194 = arith.constant 0 : index
    %swap3A_195 = vector.load %arg5[%swap3A, %swap3A_194] : memref<4x10240xf32, #tpu.memory_space<vmem>>, vector<4x10240xf32>
    tpu.vector_store %arg5[%swap3A, %swap3A_194], %add3A_193 {strides = array<i32>} : memref<4x10240xf32, #tpu.memory_space<vmem>>, vector<4x10240xf32>,
    %iota3A = tpu.iota {dimensions = array<i32: 1>} : vector<4x10240xi32>
    %lt3A = arith.constant 10000 : i32
    %lt3A_196 = vector.broadcast %lt3A : i32 to vector<4x10240xi32>
    %lt3A_197 = arith.cmpi slt, %iota3A, %lt3A_196 : vector<4x10240xi32>
    %jit3A = arith.constant -1.000000e+30 : f32
    %broadcast_in_dim3A = vector.broadcast %jit3A : f32 to vector<4x10240xf32>
    %select_n3A = arith.select %lt3A_197, %add3A_193, %broadcast_in_dim3A : vector<4x10240xi1>, vector<4x10240xf32>
    %reduce_max3A = arith.constant dense<0xFF800000> : vector<4xf32>
    %reduce_max3A_198 = vector.multi_reduction <maximumf>, %select_n3A, %reduce_max3A [1] : vector<4x10240xf32> to vector<4xf32>
    %broadcast_in_dim3A_199 = vector.shape_cast %reduce_max3A_198 : vector<4xf32> to vector<4x1xf32>
    %sub3A = vector.broadcast %broadcast_in_dim3A_199 : vector<4x1xf32> to vector<4x10240xf32>
    %sub3A_200 = arith.subf %add3A_193, %sub3A : vector<4x10240xf32>
    %exp3A = math.exp %sub3A_200 : vector<4x10240xf32>
    %jit3A_201 = arith.constant 0.000000e+00 : f32
    %broadcast_in_dim3A_202 = vector.broadcast %jit3A_201 : f32 to vector<4x10240xf32>
    %select_n3A_203 = arith.select %lt3A_197, %exp3A, %broadcast_in_dim3A_202 : vector<4x10240xi1>, vector<4x10240xf32>
    %reduce_sum3A = arith.constant dense<0.000000e+00> : vector<4xf32>
    %reduce_sum3A_204 = vector.multi_reduction <add>, %select_n3A_203, %reduce_sum3A [1] : vector<4x10240xf32> to vector<4xf32>
    %broadcast_in_dim3A_205 = vector.shape_cast %reduce_sum3A_204 : vector<4xf32> to vector<4x1xf32>
    %div3A = vector.broadcast %broadcast_in_dim3A_205 : vector<4x1xf32> to vector<4x10240xf32>
    %div3A_206 = arith.divf %select_n3A_203, %div3A : vector<4x10240xf32>
    %slice3A = vector.extract_strided_slice %div3A_206 {offsets = [0, 0], sizes = [1, 10000], strides = [1, 1]} : vector<4x10240xf32> to vector<1x10000xf32>
    %get3A_207 = arith.constant 0 : index
    %get3A_208 = arith.constant 0 : index
    %get3A_209 = arith.constant 0 : index
    %get3A_210 = vector.load %arg3[%get3A_207, %get3A_208, %get3A_209] : memref<4x10000x128xf32, #tpu.memory_space<vmem>>, vector<1x10000x128xf32>
    %get3A_211 = vector.shape_cast %get3A_210 : vector<1x10000x128xf32> to vector<10000x128xf32>
    %dot_general3A = arith.constant dense<0.000000e+00> : vector<1x128xf32>
    %dot_general3A_212 = tpu.matmul %slice3A, %get3A_211, %dot_general3A {dimension_numbers = #tpu.dot_dimension_numbers<[1], [0], [0], [1], [0, 0, 1, 1], [], []>, precision = #tpu.contract_precision<fp32>, transpose_lhs_hint = false} : vector<1x10000xf32>, vector<10000x128xf32>, vector<1x128xf32> -> vector<1x128xf32>
    %slice3A_213 = vector.extract_strided_slice %div3A_206 {offsets = [1, 0], sizes = [1, 10000], strides = [1, 1]} : vector<4x10240xf32> to vector<1x10000xf32>
    %get3A_214 = arith.constant 1 : index
    %get3A_215 = arith.constant 0 : index
    %get3A_216 = arith.constant 0 : index
    %get3A_217 = vector.load %arg3[%get3A_214, %get3A_215, %get3A_216] : memref<4x10000x128xf32, #tpu.memory_space<vmem>>, vector<1x10000x128xf32>
    %get3A_218 = vector.shape_cast %get3A_217 : vector<1x10000x128xf32> to vector<10000x128xf32>
    %dot_general3A_219 = arith.constant dense<0.000000e+00> : vector<1x128xf32>
    %dot_general3A_220 = tpu.matmul %slice3A_213, %get3A_218, %dot_general3A_219 {dimension_numbers = #tpu.dot_dimension_numbers<[1], [0], [0], [1], [0, 0, 1, 1], [], []>, precision = #tpu.contract_precision<fp32>, transpose_lhs_hint = false} : vector<1x10000xf32>, vector<10000x128xf32>, vector<1x128xf32> -> vector<1x128xf32>
    %slice3A_221 = vector.extract_strided_slice %div3A_206 {offsets = [2, 0], sizes = [1, 10000], strides = [1, 1]} : vector<4x10240xf32> to vector<1x10000xf32>
    %get3A_222 = arith.constant 2 : index
    %get3A_223 = arith.constant 0 : index
    %get3A_224 = arith.constant 0 : index
    %get3A_225 = vector.load %arg3[%get3A_222, %get3A_223, %get3A_224] : memref<4x10000x128xf32, #tpu.memory_space<vmem>>, vector<1x10000x128xf32>
    %get3A_226 = vector.shape_cast %get3A_225 : vector<1x10000x128xf32> to vector<10000x128xf32>
    %dot_general3A_227 = arith.constant dense<0.000000e+00> : vector<1x128xf32>
    %dot_general3A_228 = tpu.matmul %slice3A_221, %get3A_226, %dot_general3A_227 {dimension_numbers = #tpu.dot_dimension_numbers<[1], [0], [0], [1], [0, 0, 1, 1], [], []>, precision = #tpu.contract_precision<fp32>, transpose_lhs_hint = false} : vector<1x10000xf32>, vector<10000x128xf32>, vector<1x128xf32> -> vector<1x128xf32>
    %slice3A_229 = vector.extract_strided_slice %div3A_206 {offsets = [3, 0], sizes = [1, 10000], strides = [1, 1]} : vector<4x10240xf32> to vector<1x10000xf32>
    %get3A_230 = arith.constant 3 : index
    %get3A_231 = arith.constant 0 : index
    %get3A_232 = arith.constant 0 : index
    %get3A_233 = vector.load %arg3[%get3A_230, %get3A_231, %get3A_232] : memref<4x10000x128xf32, #tpu.memory_space<vmem>>, vector<1x10000x128xf32>
    %get3A_234 = vector.shape_cast %get3A_233 : vector<1x10000x128xf32> to vector<10000x128xf32>
    %dot_general3A_235 = arith.constant dense<0.000000e+00> : vector<1x128xf32>
    %dot_general3A_236 = tpu.matmul %slice3A_229, %get3A_234, %dot_general3A_235 {dimension_numbers = #tpu.dot_dimension_numbers<[1], [0], [0], [1], [0, 0, 1, 1], [], []>, precision = #tpu.contract_precision<fp32>, transpose_lhs_hint = false} : vector<1x10000xf32>, vector<10000x128xf32>, vector<1x128xf32> -> vector<1x128xf32>
    %concatenate3A = tpu.concatenate %dot_general3A_212, %dot_general3A_220, %dot_general3A_228, %dot_general3A_236 in 0 : vector<1x128xf32>, vector<1x128xf32>, vector<1x128xf32>, vector<1x128xf32> -> vector<4x128xf32>
    %swap3A_237 = arith.constant 0 : index
    %swap3A_238 = arith.constant 0 : index
    %swap3A_239 = vector.load %arg4[%swap3A_237, %swap3A_238] : memref<4x128xf32, #tpu.memory_space<vmem>>, vector<4x128xf32>
    tpu.vector_store %arg4[%swap3A_237, %swap3A_238], %concatenate3A {strides = array<i32>} : memref<4x128xf32, #tpu.memory_space<vmem>>, vector<4x128xf32>,
    return
  }
  func.func @transform_0(%arg0: i32) -> (i32, i32, i32) {
    %c0_i32 = arith.constant 0 : i32
    %c0_i32_0 = arith.constant 0 : i32
    %c0_i32_1 = arith.constant 0 : i32
    %c0_i32_2 = arith.constant 0 : i32
    return %c0_i32, %c0_i32_0, %c0_i32_1 : i32, i32, i32
  }
  func.func @transform_1(%arg0: i32) -> (i32, i32) {
    %c0_i32 = arith.constant 0 : i32
    %c0_i32_0 = arith.constant 0 : i32
    %c0_i32_1 = arith.constant 0 : i32
    return %c0_i32, %c0_i32_0 : i32, i32
  }
  func.func @transform_2(%arg0: i32) -> (i32, i32, i32) {
    %c0_i32 = arith.constant 0 : i32
    %c0_i32_0 = arith.constant 0 : i32
    %c0_i32_1 = arith.constant 0 : i32
    %c0_i32_2 = arith.constant 0 : i32
    return %c0_i32, %c0_i32_0, %c0_i32_1 : i32, i32, i32
  }
  func.func @transform_3(%arg0: i32) -> (i32, i32) {
    %c0_i32 = arith.constant 0 : i32
    %c0_i32_0 = arith.constant 0 : i32
    %c0_i32_1 = arith.constant 0 : i32
    return %c0_i32, %c0_i32_0 : i32, i32
  }
  func.func @transform_4(%arg0: i32) -> (i32, i32) {
    %c0_i32 = arith.constant 0 : i32
    %c0_i32_0 = arith.constant 0 : i32
    %c0_i32_1 = arith.constant 0 : i32
    return %c0_i32, %c0_i32_0 : i32, i32
  }
}

</mosaic_0001>

<sc_bundles>
// kernel: kernel.10.cloned.1.call-start
scs
__scs_entry_jumppad:
0x0: {  	(pc) =	sbr.rel $0x88, $3  }
0x1: {  	(tag) =	ssettag $0x0;
	lr =	simm.s32 $0x1  }
0x2: {  	[smem:$0x3F9A] =	sst lr;
	_ =	strace $0xD0000000  }
0x3: {  	_ = 	snop  }
0x4: {  	_ = 	snop  }
0x5: {  	_ = 	snop  }
0x6: {  	_ = 	snop  }
0x7: {  	_ = 	snop  }
__scs_overlays_trampoline_lowered:
0x8: {  	[smem:$0x3FA9] =	sst s0  }
0x9: {  	[smem:$0x3FAA] =	sst s1  }
0xa: {  	[smem:$0x3FAB] =	sst s2  }
0xb: {  	[smem:$0x3FAC] =	sst s3  }
0xc: {  	[smem:$0x3FAD] =	sst s4  }
0xd: {  	[smem:$0x3FAE] =	sst s5  }
0xe: {  	[smem:$0x3FAF] =	sst s6  }
0xf: {  	[smem:$0x3FB0] =	sst s7  }
0x10: {  	[smem:$0x3FB1] =	sst s8  }
0x11: {  	[smem:$0x3FB2] =	sst s9;
	s0 =	simm.s32 @!p0 $0x0  }
0x12: {  	s1 =	sld [smem:$0x3F98];
	s0 =	simm.s32 @p0 $0x1  }
0x13: {  	[smem:$0x3FB3] =	sst s0;
	s0 =	simm.s32 @!p1 $0x0  }
0x14: {  	s2 =	sld [smem:$0x3F97];
	s0 =	simm.s32 @p1 $0x1  }
0x15: {  	[smem:$0x3FB4] =	sst s0;
	s0 =	simm.s32 @!p2 $0x0  }
0x16: {  	s3 =	sld [smem:$0x3FDB];
	s0 =	simm.s32 @p2 $0x1  }
0x17: {  	s4 =	simm.s32 $0x1BF5;
	[smem:$0x3FB6] =	sst s0  }
0x18: {  	s0 =	sld [smem:$0x3F99];
	_ =	swait.ge [sflag:s4], $0x0  }
0x19: {  	s7 =	sld [smem:$0x3F9A]  }
0x1a: {  	s8 =	sadd.s32 $0xFFFFE003, lr  }
0x1b: {  	s9 =	sadd.s32 $0xFFFFFEF7, lr;
	s5 =	simm.s32 $0xFFFFFFFF;
	p2 =	slt.u32 s8, $0xFFFFF086  }
0x1c: {  	p1 =	slt.u32 s9, $0xF7A;
	s5 =	simm.s32 @!p2 $0x0  }
0x1d: {  	s5 =	simm.s32 @p1 $0x1;
	p0 =	seq.s32 s7, s2  }
0x1e: {  	s7 =	smul.u32 @!p0 $0xF7A, s2;
	p2 =	seq.s32 @!p0 s5, $0x0  }
0x1f: {  	s9 =	smul.u32 $0xF7A, s1;
	s8 =	simm.s32 @!p0 $0x1BF5;
	p2 =	por !p2, p0  }
0x20: {  	[sflag:s8] =	ssyncset.s32 @!p0 $0xFFFFF086;
	s6 =	sadd.s32 @!p0 s3, s7;
	s7 =	simm.s32 @!p0 $0x108  }
0x21: {  	s3 =	sadd.s32 s3, s9;
	s6 =	sadd.s32 @!p0 $0x88, s6;
	s7 =	simm.s32 @p2 $0x1082  }
0x22: {  	[simem:s7], [sflag:s8] =	dma.local @!p0 [hbm:s6], $0xF7A  }
0x23: {  	s9 =	sor.u32 $0xD0000000, s2;
	s6 =	simm.s32 $0x108;
	_ =	swait.ge @!p0 [sflag:s8], $0x0  }
0x24: {  	s3 =	sadd.s32 $0x88, s3;
	s6 =	simm.s32 @!p1 $0x1082;
	[sflag:s4] =	ssyncset.s32 $0xFFFFF086  }
0x25: {  	[simem:s6], [sflag:s4] =	dma.local [hbm:s3], $0xF7A  }
0x26: {  	[smem:$0x3F9A] =	sst s1;
	(tag) =	ssettag s2;
	_ =	strace s9  }
0x27: {  	s1 =	sld [smem:$0x3FAA]  }
0x28: {  	s2 =	sld [smem:$0x3FAB]  }
0x29: {  	s4 =	sld [smem:$0x3FAD]  }
0x2a: {  	p0 =	seq.s32 s5, $0x0;
	s5 =	sld [smem:$0x3FAE]  }
0x2b: {  	s6 =	sld [smem:$0x3FAF]  }
0x2c: {  	s7 =	sld [smem:$0x3FB0]  }
0x2d: {  	s3 =	simm.s32 $0x108;
	s8 =	sld [smem:$0x3FB1]  }
0x2e: {  	s3 =	simm.s32 @!p0 $0x1082;
	s9 =	sld [smem:$0x3FB2]  }
0x2f: {  	lr =	sadd.s32 s0, s3;
	s0 =	sld [smem:$0x3FA9]  }
0x30: {  	s3 =	sld [smem:$0x3FAC]  }
0x31: {  	[smem:$0x3FB5] =	sst s10  }
0x32: {  	s10 =	sld [smem:$0x3FB3];
	_ =	sdelay $0x3  }
0x33: {  	p0 =	seq.s32 s10, $0x1;
	s10 =	sld [smem:$0x3FB5];
	_ =	sdelay $0x3  }
0x34: {  	[smem:$0x3FB5] =	sst s10  }
0x35: {  	s10 =	sld [smem:$0x3FB4];
	_ =	sdelay $0x3  }
0x36: {  	p1 =	seq.s32 s10, $0x1;
	s10 =	sld [smem:$0x3FB5];
	_ =	sdelay $0x3  }
0x37: {  	[smem:$0x3FB5] =	sst s10  }
0x38: {  	s10 =	sld [smem:$0x3FB6]  }
0x39: {  	_ = 	snop;
	(pc) =	sbr.ind lr, $3  }
0x3a: {  	_ = 	snop  }
0x3b: {  	_ = 	snop  }
0x3c: {  	p2 =	seq.s32 s10, $0x1;
	s10 =	sld [smem:$0x3FB5]  }
0x3d: {  	_ =	shalt  }
0x3e: {  	_ =	shalt  }
0x3f: {  	_ =	shalt  }
0x40: {  	_ =	shalt  }
0x41: {  	_ =	shalt  }
0x42: {  	_ =	shalt  }
0x43: {  	_ =	shalt  }
0x44: {  	_ =	shalt  }
0x45: {  	_ =	shalt  }
0x46: {  	_ =	shalt  }
0x47: {  	_ =	shalt  }
0x48: {  	_ =	shalt  }
0x49: {  	_ =	shalt  }
0x4a: {  	_ =	shalt  }
0x4b: {  	_ =	shalt  }
0x4c: {  	_ =	shalt  }
0x4d: {  	_ =	shalt  }
0x4e: {  	_ =	shalt  }
0x4f: {  	_ =	shalt  }
0x50: {  	_ =	shalt  }
0x51: {  	_ =	shalt  }
0x52: {  	_ =	shalt  }
0x53: {  	_ =	shalt  }
0x54: {  	_ =	shalt  }
0x55: {  	_ =	shalt  }
0x56: {  	_ =	shalt  }
0x57: {  	_ =	shalt  }
0x58: {  	_ =	shalt  }
0x59: {  	_ =	shalt  }
0x5a: {  	_ =	shalt  }
0x5b: {  	_ =	shalt  }
0x5c: {  	_ =	shalt  }
0x5d: {  	_ =	shalt  }
0x5e: {  	_ =	shalt  }
0x5f: {  	_ =	shalt  }
0x60: {  	_ =	shalt  }
0x61: {  	_ =	shalt  }
0x62: {  	_ =	shalt  }
0x63: {  	_ =	shalt  }
0x64: {  	_ =	shalt  }
0x65: {  	_ =	shalt  }
0x66: {  	_ =	shalt  }
0x67: {  	_ =	shalt  }
0x68: {  	_ =	shalt  }
0x69: {  	_ =	shalt  }
0x6a: {  	_ =	shalt  }
0x6b: {  	_ =	shalt  }
0x6c: {  	_ =	shalt  }
0x6d: {  	_ =	shalt  }
0x6e: {  	_ =	shalt  }
0x6f: {  	_ =	shalt  }
0x70: {  	_ =	shalt  }
0x71: {  	_ =	shalt  }
0x72: {  	_ =	shalt  }
0x73: {  	_ =	shalt  }
0x74: {  	_ =	shalt  }
0x75: {  	_ =	shalt  }
0x76: {  	_ =	shalt  }
0x77: {  	_ =	shalt  }
0x78: {  	_ =	shalt  }
0x79: {  	_ =	shalt  }
0x7a: {  	_ =	shalt  }
0x7b: {  	_ =	shalt  }
0x7c: {  	_ =	shalt  }
0x7d: {  	_ =	shalt  }
0x7e: {  	_ =	shalt  }
0x7f: {  	_ =	shalt  }
0x80: {  	_ =	shalt  }
0x81: {  	_ =	shalt  }
0x82: {  	_ =	shalt  }
0x83: {  	_ =	shalt  }
0x84: {  	_ =	shalt  }
0x85: {  	_ =	shalt  }
0x86: {  	_ =	shalt  }
0x87: {  	_ =	shalt  }
.Lfunc_end0:
.L_simem_size_0:
called_computation.1_lowered:
.L_overlay_start_0:
0x88: {  	s2 =	sld [smem:$0x3FD9]  }
0x89: {  	s3 =	sld [smem:$0x3FFE];
	_ =	sdelay $0x1  }
0x8a: {  	s1 =	srdreg.scid  }
0x8b: {  	s0 =	sand.u32 $0x1, s1  }
0x8c: {  	s16 =	sshll.u32 s0, $0xA;
	s2 =	sadd.s32 s3, s2  }
0x8d: {  	s2 =	sadd.s32 s2, s16  }
0x8e: {  	[smem:$0x3FC1] =	sst s2  }
0x8f: {  	_ = 	snop  }
0x90: {  	(tm) =	ssettm $0x1  }
0x91: {  	s17 =	sld [smem:$0x3FFB];
	_ =	sdelay $0x3  }
0x92: {  	_ =	strace s17  }
0x93: {  	s2 =	sld [smem:$0x3FFC];
	_ =	sdelay $0x3  }
0x94: {  	_ =	strace s2  }
0x95: {  	s2 =	sld [smem:$0x3FFD];
	_ =	sdelay $0x3  }
0x96: {  	_ =	strace s2  }
0x97: {  	_ =	strace $0x8FFFFFFF  }
0x98: {  	s18 =	sld [smem:$0x3FDB];
	_ =	sdelay $0x1  }
0x99: {  	s19 =	simm.s32 $_scs_section_size  }
0x9a: {  	s4 =	simm.s32 $_size__tile_overlayer_lowered;
	s5 =	simm.s32 $_tile_overlayer_lowered  }
0x9b: {  	s22 =	simm.s32 $0x1BFF;
	s21 =	sshll.u32 s5, $0x1;
	s2 =	sadd.s32 s19, s18  }
0x9c: {  	s6 =	simm.s32 $0x0;
	s20 =	sshll.u32 s4, $0x1;
	s4 =	sadd.s32 s21, s2  }
0x9d: {  	[timem:s6], [sflag:s22] =	dma.local [hbm:s4], s20  }
0x9e: {  	_ =	swait.ge [sflag:s22], s20  }
0x9f: {  	s3 =	ssub.s32 $0x0, s20;
	[sflag:s22] =	ssyncset.done $0x0  }
0xa0: {  	[sflag:s22] =	ssyncadd.s32 s3;
	_ =	sdelay $0x1  }
0xa1: {  	s23 =	simm.s32 $0x1B8B  }
0xa2: {  	_ =	swait.ge [sflag:s23], $0x1  }
0xa3: {  	[sflag:s23] =	ssyncset.done $0x0  }
0xa4: {  	s25 =	simm.s32 $0x1B8E;
	s24 =	sld [smem:$0x3FFE];
	[sflag:s23] =	ssyncadd.s32 $0xFFFFFFFF  }
0xa5: {  	s26 =	simm.s32 $execute0_lowered;
	[smem:$0x3FD2] =	sst s25  }
0xa6: {  	s4 =	sshll.u32 s26, $0x1;
	_ =	strace $0x80000049;
	[dreg:$0x1] =	wrdreg $0xFFFFFFFF  }
0xa7: {  	s28 =	simm.s32 $_size_execute0_lowered;
	s2 =	sadd.s32 s2, s4;
	[dreg:$0x0] =	wrdreg $0x0  }
0xa8: {  	s4 =	sshll.u32 s28, $0x1;
	[dreg:$0x2] =	wrdreg s2  }
0xa9: {  	[dreg:$0x3] =	wrdreg s4  }
0xaa: {  	[dreg:$0x4] =	wrdreg $0xC0  }
0xab: {  	_ =	task [dreg:s6], $0x5FFFF  }
0xac: {  	[dreg:$0x1] =	wrdreg $0xFFFFFFFF  }
0xad: {  	[dreg:$0x0] =	wrdreg $0x60  }
0xae: {  	[dreg:$0x2] =	wrdreg s24  }
0xaf: {  	[dreg:$0x3] =	wrdreg $0x9  }
0xb0: {  	_ =	task.clear_ibuf [dreg:s6], $0x4FFFF;
	_ =	strace $0x90000049  }
0xb1: {  	s29 =	simm.s32 $0x9;
	_ =	strace $0x8000004B  }
0xb2: {  	_ =	swait.ge [sflag:s29], $0x1  }
0xb3: {  	[sflag:s29] =	ssyncadd.s32 $0xFFFFFFFF  }
0xb4: {  	_ =	strace $0x9000004B  }
0xb5: {  	_ =	sfence  }
0xb6: {  	s30 =	sld [smem:$0x0];
	_ =	sdelay $0x2  }
0xb7: {  	s31 =	sshll.u32 s1, $0xD;
	s1 =	sshrl.u32 s1, $0x2  }
0xb8: {  	s3 =	sand.u32 $0x4000, s31;
	s1 =	sadd.s32 s1, s30  }
0xb9: {  	s0 =	sor.u32 s3, s0;
	s1 =	sshll.u32 s1, $0x11  }
0xba: {  	s0 =	sor.u32 s1, s0  }
0xbb: {  	s0 =	sadd.s32 $0x8F2B, s0  }
0xbc: {  	[sflag:s0] =	ssyncadd.remote.s32 $0x1  }
0xbd: {  	_ =	sfence.sel $0xFFFF  }
0xbe: {  	[dreg:$0x0] =	wrdreg $0xFFFFFFFF;
	(pc) =	sbr.abs _section_cstart, $3  }
0xbf: {  	[dreg:$0x1] =	wrdreg $0xFFFFFFFF  }
0xc0: {  	_ =	task.clear_ibuf [dreg:s6], $0x2FFFF;
	_ =	strace $0x9FFFFFFF  }
0xc1: {  	(tm) =	ssettm $0x7FFFFFFF  }
tec
execute0_lowered:
.L_overlay_start_1:
0x0: {  	(tag) =	ssettag $0x1  }
0x1: {  	s0 =	srdreg.scid  }
0x2: {  	s5 =	rddreg [dreg:$0x0];
	s1 =	stileid.u32;
	s2 =	simm.s32 $0x0  }
0x3: {  	s10 =	simm.s32 $0xA000;
	s11 =	simm.s32 $0x14000;
	s3 =	sand.u32 $0x1, s0  }
0x4: {  	s12 =	simm.s32 $0x16800;
	s0 =	rddreg [dreg:$0x1];
	s4 =	sshll.u32 s3, $0x4  }
0x5: {  	s13 =	simm.s32 $0x0;
	[smem:$0x7FF] =	sst s2;
	s4 =	sor.u32 s1, s4  }
0x6: {  	_ =	strace $0x8000004A;
	s8 =	ssub.s32 $0x2, s3;
	s6 =	smul.u32 $0x500, s4  }
0x7: {  	s3 =	sadd.s32 $0x14A00, s5;
	s9 =	sshrl.u32 s8, $0x1;
	s7 =	smul.u32 $0x1400, s4  }
0x8: {  	s4 =	sadd.s32 $0x15E00, s5;
	s8 =	ssub.s32 s8, s9;
	s9 =	simm.s32 $0x1  }
0x9: {  	s8 =	smax.u32 s8, $0x1;
	s6 =	sadd.s32 s6, s5;
	s7 =	sadd.s32 s7, s5  }
0xa: {  	s5 =	sadd.s32 $0xA00, s6;
	s6 =	sadd.s32 $0xAA00, s6;
	s7 =	sadd.s32 $0x17200, s7  }
.LBB2_1:
0xb: {  	[tilespmem:s2], [sflag:$0x1] =	stream.linear.gather [hbm4b:s3+s2], $0xA000, $0x38;
	[tilespmem:$0x19000] =	vst v63  }
0xc: {  	_ =	swait.ge [sflag:s9], $0xA000  }
0xd: {  	[sflag:s9] =	ssyncset.done $0x0  }
0xe: {  	[sflag:s9] =	ssyncadd.s32 $0xFFFF6000  }
0xf: {  	[tilespmem:s10], [sflag:$0x1] =	stream.linear.gather [hbm4b:s4+s2], $0xA000, $0x38;
	[tilespmem:$0x19000] =	vst v63  }
0x10: {  	_ =	swait.ge [sflag:s9], $0xA000  }
0x11: {  	[sflag:s9] =	ssyncset.done $0x0  }
0x12: {  	[sflag:s9] =	ssyncadd.s32 $0xFFFF6000  }
0x13: {  	[tilespmem:s11], [sflag:$0x1] =	stream.linear.gather [hbm4b:s5+s2], $0x2800, $0x38;
	[tilespmem:$0x19000] =	vst v63  }
0x14: {  	_ =	swait.ge [sflag:s9], $0x2800  }
0x15: {  	[sflag:s9] =	ssyncset.done $0x0  }
0x16: {  	[sflag:s9] =	ssyncadd.s32 $0xFFFFD800  }
0x17: {  	[tilespmem:s12], [sflag:$0x1] =	stream.linear.gather [hbm4b:s6+s2], $0x2800, $0x38;
	[tilespmem:$0x19000] =	vst v63  }
0x18: {  	_ =	swait.ge [sflag:s9], $0x2800  }
0x19: {  	[sflag:s9] =	ssyncset.done $0x0  }
0x1a: {  	s14 =	simm.s32 $0x0;
	[sflag:s9] =	ssyncadd.s32 $0xFFFFD800  }
0x1b: {  	v0 =	vld [tilespmem:s14+$0x14000];
	_ =	sdelay $0x4  }
0x1c: {  	v1 =	vld [tilespmem:s14+$0x16800];
	v0 =	vshll.u32 v0, $0x2;
	_ =	sdelay $0x4  }
0x1d: {  	v1 =	vshll.u32 v1, $0x2;
	v2 =	vld.idx.msk [tilespmem:v0+s2+$0x0], $0xffff  }
0x1e: {  	v3 =	vor.u32 $0x1, v0;
	_ =	sdelay $0x3  }
0x1f: {  	[tilespmem:v1+s10+$0x0] =	vst.idx.add.f32.msk $0xffff, v2  }
0x20: {  	v2 =	vld.idx.msk [tilespmem:v3+s2+$0x0], $0xffff;
	v3 =	vor.u32 $0x1, v1  }
0x21: {  	v4 =	vor.u32 $0x2, v0;
	_ =	sdelay $0x3  }
0x22: {  	[tilespmem:v3+s10+$0x0] =	vst.idx.add.f32.msk $0xffff, v2  }
0x23: {  	v3 =	vor.u32 $0x2, v1;
	v2 =	vld.idx.msk [tilespmem:v4+s2+$0x0], $0xffff  }
0x24: {  	v0 =	vor.u32 $0x3, v0;
	_ =	sdelay $0x3  }
0x25: {  	[tilespmem:v3+s10+$0x0] =	vst.idx.add.f32.msk $0xffff, v2  }
0x26: {  	s15 =	simm.s32 $0x80;
	s14 =	simm.s32 $0x40;
	v1 =	vor.u32 $0x3, v1;
	v0 =	vld.idx.msk [tilespmem:v0+s2+$0x0], $0xffff  }
.LBB2_2:
0x27: {  	_ =	sdelay $0x2  }
0x28: {  	p0 =	sne.s32 s15, $0x9FC0  }
0x29: {  	s16 =	sshra.s32 s14, $0x2;
	s14 =	smov.u32 s15;
	s15 =	sadd.s32 $0x40, s15;
	[tilespmem:v1+s10+$0x0] =	vst.idx.add.f32.msk $0xffff, v0  }
0x2a: {  	v0 =	vld [tilespmem:s16+$0x14000];
	_ =	sdelay $0x4  }
0x2b: {  	v0 =	vshll.u32 v0, $0x2  }
0x2c: {  	v1 =	vld [tilespmem:s16+$0x16800];
	_ =	sdelay $0x3  }
0x2d: {  	v2 =	vld.idx.msk [tilespmem:v0+s2+$0x0], $0xffff  }
0x2e: {  	v1 =	vshll.u32 v1, $0x2  }
0x2f: {  	v3 =	vor.u32 $0x1, v0;
	_ =	sdelay $0x3  }
0x30: {  	[tilespmem:v1+s10+$0x0] =	vst.idx.add.f32.msk $0xffff, v2  }
0x31: {  	v2 =	vld.idx.msk [tilespmem:v3+s2+$0x0], $0xffff  }
0x32: {  	v3 =	vor.u32 $0x1, v1  }
0x33: {  	v4 =	vor.u32 $0x2, v0;
	_ =	sdelay $0x3  }
0x34: {  	[tilespmem:v3+s10+$0x0] =	vst.idx.add.f32.msk $0xffff, v2  }
0x35: {  	v2 =	vld.idx.msk [tilespmem:v4+s2+$0x0], $0xffff  }
0x36: {  	v3 =	vor.u32 $0x2, v1  }
0x37: {  	v0 =	vor.u32 $0x3, v0;
	_ =	sdelay $0x1  }
.Ltmp0:
0x38: {  	(pc) =	sbr.rel @p0 .LBB2_2-.Ltmp0, $4  }
0x39: {  	_ = 	snop  }
0x3a: {  	[tilespmem:v3+s10+$0x0] =	vst.idx.add.f32.msk $0xffff, v2  }
0x3b: {  	v0 =	vld.idx.msk [tilespmem:v0+s2+$0x0], $0xffff  }
0x3c: {  	v1 =	vor.u32 $0x3, v1  }
0x3d: {  	_ =	sdelay $0x3  }
0x3e: {  	s14 =	sshra.s32 s14, $0x2;
	[tilespmem:v1+s10+$0x0] =	vst.idx.add.f32.msk $0xffff, v0  }
0x3f: {  	v0 =	vld [tilespmem:s14+$0x14000];
	_ =	sdelay $0x4  }
0x40: {  	v1 =	vld [tilespmem:s14+$0x16800];
	v0 =	vshll.u32 v0, $0x2;
	_ =	sdelay $0x4  }
0x41: {  	v1 =	vshll.u32 v1, $0x2;
	v2 =	vld.idx.msk [tilespmem:v0+s2+$0x0], $0xffff  }
0x42: {  	v3 =	vor.u32 $0x1, v0;
	_ =	sdelay $0x3  }
0x43: {  	[tilespmem:v1+s10+$0x0] =	vst.idx.add.f32.msk $0xffff, v2  }
0x44: {  	v62 =	vor.u32 $0x1, v1;
	v2 =	vld.idx.msk [tilespmem:v3+s2+$0x0], $0xffff  }
0x45: {  	v4 =	vor.u32 $0x2, v0;
	_ =	sdelay $0x3  }
0x46: {  	[tilespmem:v62+s10+$0x0] =	vst.idx.add.f32.msk $0xffff, v2  }
0x47: {  	v63 =	vor.u32 $0x2, v1;
	v2 =	vld.idx.msk [tilespmem:v4+s2+$0x0], $0xffff  }
0x48: {  	v0 =	vor.u32 $0x3, v0;
	_ =	sdelay $0x3  }
0x49: {  	[tilespmem:v63+s10+$0x0] =	vst.idx.add.f32.msk $0xffff, v2  }
0x4a: {  	v1 =	vor.u32 $0x3, v1;
	v0 =	vld.idx.msk [tilespmem:v0+s2+$0x0], $0xffff;
	_ =	sdelay $0x2  }
0x4b: {  	s13 =	sadd.s32 $0x1, s13  }
0x4c: {  	p0 =	sne.s32 s13, s8  }
.Ltmp1:
0x4d: {  	[tilespmem:v1+s10+$0x0] =	vst.idx.add.f32.msk $0xffff, v0;
	(pc) =	sbr.rel @p0 .LBB2_1-.Ltmp1, $4  }
0x4e: {  	[hbm4b:s7+s2] =	stream.linear.scatter [tilespmem:s10], [sflag:$0x1], $0xA000, $0x38;
	[tilespmem:$0x19000] =	vst v63  }
0x4f: {  	_ =	swait.ge [sflag:s9], $0xA000  }
0x50: {  	[sflag:s9] =	ssyncset.done $0x0  }
0x51: {  	[sflag:s9] =	ssyncadd.s32 $0xFFFF6000  }
0x52: {  	_ =	sfence.sel $0x180000  }
0x53: {  	[bflag:$0x0] =	sbarrier.arrive $0xFFFF  }
0x54: {  	p0 =	sne.s32 s1, $0x0;
	_ =	strace $0x9000004A  }
0x55: {  	s0 =	sadd.s32 @!p0 $0x100000, s0;
	[bflag:$0x2] =	sbarrier.arrive $0xFFFF  }
0x56: {  	[sflag:s0] =	ssyncadd.tile.s32 @!p0 $0x1;
	_ =	shalt  }
.Lfunc_end2:
_tile_overlayer_lowered:
.L_overlay_start_2:
0x57: {  	(tag) =	ssettag $0x2  }
0x58: {  	s0 =	rddreg [dreg:$0x0];
	s2 =	stileid.u32  }
0x59: {  	s1 =	rddreg [dreg:$0x1];
	p0 =	sne.s32 s2, $0x0  }
0x5a: {  	s3 =	rddreg [dreg:$0x2];
	[bflag:$0x3] =	sbarrier.arrive $0xFFFF;
	s2 =	simm.s32 @!p0 $0x1C01  }
0x5b: {  	[timem:s3], [sflag:s2] =	dma.local @!p0 [hbm:s0], s1  }
0x5c: {  	s0 =	simm.s32 @!p0 $0x1  }
0x5d: {  	_ =	swait.ge @!p0 [sflag:s0], s1  }
0x5e: {  	s1 =	ssub.s32 @!p0 $0x0, s1;
	[sflag:s0] =	ssyncset.done @!p0 $0x0  }
0x5f: {  	[sflag:s0] =	ssyncadd.s32 @!p0 s1  }
0x60: {  	[bflag:$0x3] =	sbarrier.arrive $0xFFFF  }
0x61: {  	_ =	shalt  }

// kernel: kernel.7.cloned.1.call-start
scs
__scs_entry_jumppad:
0x0: {  	(pc) =	sbr.rel $0x88, $3  }
0x1: {  	(tag) =	ssettag $0x0;
	lr =	simm.s32 $0x1  }
0x2: {  	[smem:$0x3F9A] =	sst lr;
	_ =	strace $0xD0000000  }
0x3: {  	_ = 	snop  }
0x4: {  	_ = 	snop  }
0x5: {  	_ = 	snop  }
0x6: {  	_ = 	snop  }
0x7: {  	_ = 	snop  }
__scs_overlays_trampoline_lowered:
0x8: {  	[smem:$0x3FA9] =	sst s0  }
0x9: {  	[smem:$0x3FAA] =	sst s1  }
0xa: {  	[smem:$0x3FAB] =	sst s2  }
0xb: {  	[smem:$0x3FAC] =	sst s3  }
0xc: {  	[smem:$0x3FAD] =	sst s4  }
0xd: {  	[smem:$0x3FAE] =	sst s5  }
0xe: {  	[smem:$0x3FAF] =	sst s6  }
0xf: {  	[smem:$0x3FB0] =	sst s7  }
0x10: {  	[smem:$0x3FB1] =	sst s8  }
0x11: {  	[smem:$0x3FB2] =	sst s9;
	s0 =	simm.s32 @!p0 $0x0  }
0x12: {  	s1 =	sld [smem:$0x3F98];
	s0 =	simm.s32 @p0 $0x1  }
0x13: {  	[smem:$0x3FB3] =	sst s0;
	s0 =	simm.s32 @!p1 $0x0  }
0x14: {  	s2 =	sld [smem:$0x3F97];
	s0 =	simm.s32 @p1 $0x1  }
0x15: {  	[smem:$0x3FB4] =	sst s0;
	s0 =	simm.s32 @!p2 $0x0  }
0x16: {  	s3 =	sld [smem:$0x3FDB];
	s0 =	simm.s32 @p2 $0x1  }
0x17: {  	s4 =	simm.s32 $0x1BF5;
	[smem:$0x3FB6] =	sst s0  }
0x18: {  	s0 =	sld [smem:$0x3F99];
	_ =	swait.ge [sflag:s4], $0x0  }
0x19: {  	s7 =	sld [smem:$0x3F9A]  }
0x1a: {  	s8 =	sadd.s32 $0xFFFFE003, lr  }
0x1b: {  	s9 =	sadd.s32 $0xFFFFFEF7, lr;
	s5 =	simm.s32 $0xFFFFFFFF;
	p2 =	slt.u32 s8, $0xFFFFF086  }
0x1c: {  	p1 =	slt.u32 s9, $0xF7A;
	s5 =	simm.s32 @!p2 $0x0  }
0x1d: {  	s5 =	simm.s32 @p1 $0x1;
	p0 =	seq.s32 s7, s2  }
0x1e: {  	s7 =	smul.u32 @!p0 $0xF7A, s2;
	p2 =	seq.s32 @!p0 s5, $0x0  }
0x1f: {  	s9 =	smul.u32 $0xF7A, s1;
	s8 =	simm.s32 @!p0 $0x1BF5;
	p2 =	por !p2, p0  }
0x20: {  	[sflag:s8] =	ssyncset.s32 @!p0 $0xFFFFF086;
	s6 =	sadd.s32 @!p0 s3, s7;
	s7 =	simm.s32 @!p0 $0x108  }
0x21: {  	s3 =	sadd.s32 s3, s9;
	s6 =	sadd.s32 @!p0 $0x88, s6;
	s7 =	simm.s32 @p2 $0x1082  }
0x22: {  	[simem:s7], [sflag:s8] =	dma.local @!p0 [hbm:s6], $0xF7A  }
0x23: {  	s9 =	sor.u32 $0xD0000000, s2;
	s6 =	simm.s32 $0x108;
	_ =	swait.ge @!p0 [sflag:s8], $0x0  }
0x24: {  	s3 =	sadd.s32 $0x88, s3;
	s6 =	simm.s32 @!p1 $0x1082;
	[sflag:s4] =	ssyncset.s32 $0xFFFFF086  }
0x25: {  	[simem:s6], [sflag:s4] =	dma.local [hbm:s3], $0xF7A  }
0x26: {  	[smem:$0x3F9A] =	sst s1;
	(tag) =	ssettag s2;
	_ =	strace s9  }
0x27: {  	s1 =	sld [smem:$0x3FAA]  }
0x28: {  	s2 =	sld [smem:$0x3FAB]  }
0x29: {  	s4 =	sld [smem:$0x3FAD]  }
0x2a: {  	p0 =	seq.s32 s5, $0x0;
	s5 =	sld [smem:$0x3FAE]  }
0x2b: {  	s6 =	sld [smem:$0x3FAF]  }
0x2c: {  	s7 =	sld [smem:$0x3FB0]  }
0x2d: {  	s3 =	simm.s32 $0x108;
	s8 =	sld [smem:$0x3FB1]  }
0x2e: {  	s3 =	simm.s32 @!p0 $0x1082;
	s9 =	sld [smem:$0x3FB2]  }
0x2f: {  	lr =	sadd.s32 s0, s3;
	s0 =	sld [smem:$0x3FA9]  }
0x30: {  	s3 =	sld [smem:$0x3FAC]  }
0x31: {  	[smem:$0x3FB5] =	sst s10  }
0x32: {  	s10 =	sld [smem:$0x3FB3];
	_ =	sdelay $0x3  }
0x33: {  	p0 =	seq.s32 s10, $0x1;
	s10 =	sld [smem:$0x3FB5];
	_ =	sdelay $0x3  }
0x34: {  	[smem:$0x3FB5] =	sst s10  }
0x35: {  	s10 =	sld [smem:$0x3FB4];
	_ =	sdelay $0x3  }
0x36: {  	p1 =	seq.s32 s10, $0x1;
	s10 =	sld [smem:$0x3FB5];
	_ =	sdelay $0x3  }
0x37: {  	[smem:$0x3FB5] =	sst s10  }
0x38: {  	s10 =	sld [smem:$0x3FB6]  }
0x39: {  	_ = 	snop;
	(pc) =	sbr.ind lr, $3  }
0x3a: {  	_ = 	snop  }
0x3b: {  	_ = 	snop  }
0x3c: {  	p2 =	seq.s32 s10, $0x1;
	s10 =	sld [smem:$0x3FB5]  }
0x3d: {  	_ =	shalt  }
0x3e: {  	_ =	shalt  }
0x3f: {  	_ =	shalt  }
0x40: {  	_ =	shalt  }
0x41: {  	_ =	shalt  }
0x42: {  	_ =	shalt  }
0x43: {  	_ =	shalt  }
0x44: {  	_ =	shalt  }
0x45: {  	_ =	shalt  }
0x46: {  	_ =	shalt  }
0x47: {  	_ =	shalt  }
0x48: {  	_ =	shalt  }
0x49: {  	_ =	shalt  }
0x4a: {  	_ =	shalt  }
0x4b: {  	_ =	shalt  }
0x4c: {  	_ =	shalt  }
0x4d: {  	_ =	shalt  }
0x4e: {  	_ =	shalt  }
0x4f: {  	_ =	shalt  }
0x50: {  	_ =	shalt  }
0x51: {  	_ =	shalt  }
0x52: {  	_ =	shalt  }
0x53: {  	_ =	shalt  }
0x54: {  	_ =	shalt  }
0x55: {  	_ =	shalt  }
0x56: {  	_ =	shalt  }
0x57: {  	_ =	shalt  }
0x58: {  	_ =	shalt  }
0x59: {  	_ =	shalt  }
0x5a: {  	_ =	shalt  }
0x5b: {  	_ =	shalt  }
0x5c: {  	_ =	shalt  }
0x5d: {  	_ =	shalt  }
0x5e: {  	_ =	shalt  }
0x5f: {  	_ =	shalt  }
0x60: {  	_ =	shalt  }
0x61: {  	_ =	shalt  }
0x62: {  	_ =	shalt  }
0x63: {  	_ =	shalt  }
0x64: {  	_ =	shalt  }
0x65: {  	_ =	shalt  }
0x66: {  	_ =	shalt  }
0x67: {  	_ =	shalt  }
0x68: {  	_ =	shalt  }
0x69: {  	_ =	shalt  }
0x6a: {  	_ =	shalt  }
0x6b: {  	_ =	shalt  }
0x6c: {  	_ =	shalt  }
0x6d: {  	_ =	shalt  }
0x6e: {  	_ =	shalt  }
0x6f: {  	_ =	shalt  }
0x70: {  	_ =	shalt  }
0x71: {  	_ =	shalt  }
0x72: {  	_ =	shalt  }
0x73: {  	_ =	shalt  }
0x74: {  	_ =	shalt  }
0x75: {  	_ =	shalt  }
0x76: {  	_ =	shalt  }
0x77: {  	_ =	shalt  }
0x78: {  	_ =	shalt  }
0x79: {  	_ =	shalt  }
0x7a: {  	_ =	shalt  }
0x7b: {  	_ =	shalt  }
0x7c: {  	_ =	shalt  }
0x7d: {  	_ =	shalt  }
0x7e: {  	_ =	shalt  }
0x7f: {  	_ =	shalt  }
0x80: {  	_ =	shalt  }
0x81: {  	_ =	shalt  }
0x82: {  	_ =	shalt  }
0x83: {  	_ =	shalt  }
0x84: {  	_ =	shalt  }
0x85: {  	_ =	shalt  }
0x86: {  	_ =	shalt  }
0x87: {  	_ =	shalt  }
.Lfunc_end0:
.L_simem_size_0:
called_computation_lowered:
.L_overlay_start_0:
0x88: {  	s2 =	sld [smem:$0x3FD9]  }
0x89: {  	s3 =	sld [smem:$0x3FFE];
	_ =	sdelay $0x1  }
0x8a: {  	s1 =	srdreg.scid  }
0x8b: {  	s0 =	sand.u32 $0x1, s1  }
0x8c: {  	s16 =	sshll.u32 s0, $0xA;
	s2 =	sadd.s32 s3, s2  }
0x8d: {  	s2 =	sadd.s32 s2, s16  }
0x8e: {  	[smem:$0x3FC1] =	sst s2  }
0x8f: {  	_ = 	snop  }
0x90: {  	(tm) =	ssettm $0x1  }
0x91: {  	s17 =	sld [smem:$0x3FFB];
	_ =	sdelay $0x3  }
0x92: {  	_ =	strace s17  }
0x93: {  	s2 =	sld [smem:$0x3FFC];
	_ =	sdelay $0x3  }
0x94: {  	_ =	strace s2  }
0x95: {  	s2 =	sld [smem:$0x3FFD];
	_ =	sdelay $0x3  }
0x96: {  	_ =	strace s2  }
0x97: {  	_ =	strace $0x8FFFFFFF  }
0x98: {  	s18 =	sld [smem:$0x3FDB];
	_ =	sdelay $0x1  }
0x99: {  	s19 =	simm.s32 $_scs_section_size  }
0x9a: {  	s4 =	simm.s32 $_size__tile_overlayer_lowered;
	s5 =	simm.s32 $_tile_overlayer_lowered  }
0x9b: {  	s22 =	simm.s32 $0x1BFF;
	s21 =	sshll.u32 s5, $0x1;
	s2 =	sadd.s32 s19, s18  }
0x9c: {  	s6 =	simm.s32 $0x0;
	s20 =	sshll.u32 s4, $0x1;
	s4 =	sadd.s32 s21, s2  }
0x9d: {  	[timem:s6], [sflag:s22] =	dma.local [hbm:s4], s20  }
0x9e: {  	_ =	swait.ge [sflag:s22], s20  }
0x9f: {  	s3 =	ssub.s32 $0x0, s20;
	[sflag:s22] =	ssyncset.done $0x0  }
0xa0: {  	[sflag:s22] =	ssyncadd.s32 s3;
	_ =	sdelay $0x1  }
0xa1: {  	s23 =	simm.s32 $0x1B8B  }
0xa2: {  	_ =	swait.ge [sflag:s23], $0x1  }
0xa3: {  	[sflag:s23] =	ssyncset.done $0x0  }
0xa4: {  	s25 =	simm.s32 $0x1B8E;
	s24 =	sld [smem:$0x3FFE];
	[sflag:s23] =	ssyncadd.s32 $0xFFFFFFFF  }
0xa5: {  	s26 =	simm.s32 $execute0_lowered;
	[smem:$0x3FD2] =	sst s25  }
0xa6: {  	s4 =	sshll.u32 s26, $0x1;
	_ =	strace $0x80000046;
	[dreg:$0x1] =	wrdreg $0xFFFFFFFF  }
0xa7: {  	s28 =	simm.s32 $_size_execute0_lowered;
	s2 =	sadd.s32 s2, s4;
	[dreg:$0x0] =	wrdreg $0x0  }
0xa8: {  	s4 =	sshll.u32 s28, $0x1;
	[dreg:$0x2] =	wrdreg s2  }
0xa9: {  	[dreg:$0x3] =	wrdreg s4  }
0xaa: {  	[dreg:$0x4] =	wrdreg $0xC0  }
0xab: {  	_ =	task [dreg:s6], $0x5FFFF  }
0xac: {  	[dreg:$0x1] =	wrdreg $0xFFFFFFFF  }
0xad: {  	[dreg:$0x0] =	wrdreg $0x60  }
0xae: {  	[dreg:$0x2] =	wrdreg s24  }
0xaf: {  	[dreg:$0x3] =	wrdreg $0x88000  }
0xb0: {  	[dreg:$0x4] =	wrdreg $0x9  }
0xb1: {  	_ =	task.clear_ibuf [dreg:s6], $0x5FFFF;
	_ =	strace $0x90000046  }
0xb2: {  	s29 =	simm.s32 $0x9;
	_ =	strace $0x80000048  }
0xb3: {  	_ =	swait.ge [sflag:s29], $0x1  }
0xb4: {  	[sflag:s29] =	ssyncadd.s32 $0xFFFFFFFF  }
0xb5: {  	_ =	strace $0x90000048  }
0xb6: {  	_ =	sfence  }
0xb7: {  	s30 =	sld [smem:$0x0];
	_ =	sdelay $0x2  }
0xb8: {  	s31 =	sshll.u32 s1, $0xD;
	s1 =	sshrl.u32 s1, $0x2  }
0xb9: {  	s3 =	sand.u32 $0x4000, s31;
	s1 =	sadd.s32 s1, s30  }
0xba: {  	s0 =	sor.u32 s3, s0;
	s1 =	sshll.u32 s1, $0x11  }
0xbb: {  	s0 =	sor.u32 s1, s0  }
0xbc: {  	s0 =	sadd.s32 $0x8F2B, s0  }
0xbd: {  	[sflag:s0] =	ssyncadd.remote.s32 $0x1  }
0xbe: {  	_ =	sfence.sel $0xFFFF  }
0xbf: {  	[dreg:$0x0] =	wrdreg $0xFFFFFFFF;
	(pc) =	sbr.abs _section_cstart, $3  }
0xc0: {  	[dreg:$0x1] =	wrdreg $0xFFFFFFFF  }
0xc1: {  	_ =	task.clear_ibuf [dreg:s6], $0x2FFFF;
	_ =	strace $0x9FFFFFFF  }
0xc2: {  	(tm) =	ssettm $0x7FFFFFFF  }
0xc3: {  	_ =	shalt  }
tec
execute0_lowered:
.L_overlay_start_1:
0x0: {  	(tag) =	ssettag $0x1  }
0x1: {  	s0 =	rddreg [dreg:$0x0]  }
0x2: {  	s1 =	rddreg [dreg:$0x1]  }
0x3: {  	s3 =	simm.s32 $0x0;
	s2 =	srdreg.scid;
	s13 =	stileid.u32  }
0x4: {  	s28 =	simm.s32 $0x1;
	s29 =	simm.s32 $0x4;
	s30 =	simm.s32 $0x0  }
0x5: {  	[smem:$0x7FF] =	sst s3;
	s4 =	sadd.s32 $0x64A00, s0;
	s6 =	smul.u32 $0x50000, s13  }
0x6: {  	s2 =	sand.u32 $0x1, s2;
	s5 =	sadd.s32 $0x100E00, s0;
	s11 =	smul.u32 $0xA000, s13  }
0x7: {  	s8 =	sadd.s32 $0x14A00, s0;
	s0 =	sadd.s32 $0x103600, s0;
	s12 =	smul.u32 $0x14000, s13  }
0x8: {  	s25 =	sshll.u32 s13, $0x6;
	_ =	strace $0x80000047;
	s9 =	smul.u32 $0x140000, s2  }
0x9: {  	s7 =	ssub.s32 $0x2, s2;
	s26 =	smul.u32 $0x280000, s2;
	s2 =	sshllo.u32 s2, $0x1  }
0xa: {  	s10 =	sshrl.u32 s7, $0x1;
	s6 =	sshrl.u32 s6, $0x2;
	s14 =	smul.u32 $0x140000, s2  }
0xb: {  	s15 =	sadd.s32 $0x5000, s11;
	s2 =	smul.u32 $0xA0000, s2;
	s10 =	ssub.s32 s7, s10  }
0xc: {  	s6 =	sadd.s32 s6, s1;
	s7 =	sor.u32 $0x1C05, s25;
	s31 =	sadd.s32 s11, s9  }
0xd: {  	s13 =	sadd.s32 s12, s26;
	s16 =	sadd.s32 s9, s15;
	[dreg:$0x3] =	wrdreg s6  }
0xe: {  	s13 =	sshrl.u32 s13, $0x3;
	s14 =	sadd.s32 s12, s14;
	s17 =	sadd.s32 s11, s2  }
0xf: {  	s2 =	sadd.s32 s2, s15;
	s18 =	sshrl.u32 s31, $0x3;
	s19 =	sshrl.u32 s16, $0x3  }
0x10: {  	s20 =	smax.u32 s10, $0x1;
	s23 =	sadd.s32 $0x5100, s31;
	s25 =	sor.u32 $0x100, s31  }
0x11: {  	s26 =	sadd.s32 $0xA5100, s31;
	s6 =	sadd.s32 $0xA0100, s31;
	s13 =	sadd.s32 s0, s13  }
0x12: {  	s9 =	sshrl.u32 s14, $0x3;
	[dreg:$0x6] =	wrdreg s20;
	s21 =	sadd.s32 s8, s19  }
0x13: {  	s22 =	sshrl.u32 s17, $0x3;
	s2 =	sshrl.u32 s2, $0x3;
	s24 =	sshrl.u32 s23, $0x3  }
0x14: {  	s31 =	sshrl.u32 s6, $0x3;
	s19 =	simm.s32 $0x5;
	s20 =	simm.s32 $0x80  }
0x15: {  	s23 =	simm.s32 $0x4800;
	[dreg:$0x4] =	wrdreg s13;
	s0 =	sadd.s32 s0, s9  }
0x16: {  	[dreg:$0x8] =	wrdreg s21;
	s14 =	sadd.s32 s8, s2;
	s15 =	sadd.s32 s24, s8  }
0x17: {  	s2 =	sshrl.u32 s26, $0x3;
	s21 =	simm.s32 $0x800;
	s24 =	simm.s32 $0x2  }
0x18: {  	s26 =	simm.s32 $0x3;
	[dreg:$0x5] =	wrdreg s0;
	s0 =	sadd.s32 s8, s18  }
0x19: {  	s17 =	sadd.s32 s2, s8;
	[dreg:$0x7] =	wrdreg s0;
	s0 =	sadd.s32 s8, s22  }
0x1a: {  	s18 =	sadd.s32 s31, s8;
	[dreg:$0x9] =	wrdreg s0;
	s0 =	sshrl.u32 s25, $0x3  }
0x1b: {  	s22 =	simm.s32 $0x400;
	s25 =	simm.s32 $0x480;
	s16 =	sadd.s32 s0, s8  }
.LBB2_1:
0x1c: {  	s0 =	rddreg [dreg:$0x3]  }
0x1d: {  	s31 =	sshrl.u32 s0, $0x3  }
0x1e: {  	[spmem:s31], [sflag:s7] =	dma.local [hbm:s5], $0x2800  }
0x1f: {  	_ =	swait.ge [sflag:s19], $0x2800  }
0x20: {  	[sflag:s19] =	ssyncset.done $0x0  }
0x21: {  	[sflag:s19] =	ssyncadd.s32 $0xFFFFD800  }
0x22: {  	[bflag:$0x0] =	sbarrier.arrive $0xFFFF  }
0x23: {  	s10 =	rddreg [dreg:$0x7]  }
0x24: {  	[tilespmem:s3], [sflag:$0x5] =	stream.linear.gather [hbm4b:s10+s3], $0x400, $0x38;
	[tilespmem:$0x1C800] =	vst v63  }
0x25: {  	_ =	swait.ge [sflag:s19], $0x400  }
0x26: {  	[sflag:s19] =	ssyncset.done $0x0  }
0x27: {  	[sflag:s19] =	ssyncadd.s32 $0xFFFFFC00  }
0x28: {  	[tilespmem:s21], [sflag:$0x1] =	stream.indirect.gather [hbm4b:s4+s20], $0x80, s3, s20, $0xb8;
	[tilespmem:$0x1C800] =	vst v63  }
0x29: {  	s11 =	rddreg [dreg:$0x8]  }
0x2a: {  	[tilespmem:s22], [sflag:$0x5] =	stream.linear.gather [hbm4b:s11+s3], $0x400, $0x38;
	[tilespmem:$0x1C800] =	vst v63  }
0x2b: {  	_ =	swait.ge [sflag:s19], $0x400  }
0x2c: {  	[sflag:s19] =	ssyncset.done $0x0  }
0x2d: {  	[sflag:s19] =	ssyncadd.s32 $0xFFFFFC00  }
0x2e: {  	[tilespmem:s23], [sflag:$0x2] =	stream.indirect.gather [hbm4b:s4+s20], $0x80, s22, s20, $0xb8;
	[tilespmem:$0x1C800] =	vst v63  }
0x2f: {  	_ =	swait.ge [sflag:s28], $0x4000  }
0x30: {  	[sflag:s28] =	ssyncset.done $0x0  }
0x31: {  	[sflag:s28] =	ssyncadd.s32 $0xFFFFC000  }
0x32: {  	[spmem:s1] =	stream.indirect.scatter.add.f32 [tilespmem:s21], [sflag:$0x3], $0x80, s20, s20, $0xb8;
	[tilespmem:$0x1C800] =	vst v63  }
0x33: {  	_ =	swait.ge [sflag:s24], $0x4000  }
0x34: {  	[sflag:s24] =	ssyncset.done $0x0  }
0x35: {  	[sflag:s24] =	ssyncadd.s32 $0xFFFFC000  }
0x36: {  	[spmem:s1] =	stream.indirect.scatter.add.f32 [tilespmem:s23], [sflag:$0x4], $0x80, s25, s20, $0xb8;
	[tilespmem:$0x1C800] =	vst v63  }
0x37: {  	s0 =	sand.u32 $0x3, s28;
	_ =	swait.ge [sflag:s26], $0x4000  }
0x38: {  	p0 =	seq.s32 s0, $0x0;
	[sflag:s26] =	ssyncset.done $0x0  }
0x39: {  	s2 =	simm.s32 @p0 $0x0;
	s6 =	simm.s32 @p0 $0x5;
	[sflag:s26] =	ssyncadd.s32 $0xFFFFC000  }
0x3a: {  	[tilespmem:s2], [sflag:$0x5] =	stream.linear.gather @p0 [hbm4b:s16+s2], $0x400, $0x38;
	[tilespmem:$0x1C800] =	vst v63  }
0x3b: {  	_ =	swait.ge @p0 [sflag:s6], $0x400  }
0x3c: {  	[sflag:s6] =	ssyncset.done @p0 $0x0  }
0x3d: {  	s8 =	simm.s32 @p0 $0x80;
	s9 =	simm.s32 @p0 $0x800;
	[sflag:s6] =	ssyncadd.s32 @p0 $0xFFFFFC00  }
0x3e: {  	[tilespmem:s9], [sflag:$0x1] =	stream.indirect.gather @p0 [hbm4b:s4+s8], $0x80, s2, s8, $0xb8;
	[tilespmem:$0x1C800] =	vst v63  }
0x3f: {  	s8 =	simm.s32 @p0 $0x4  }
0x40: {  	_ =	swait.ge @p0 [sflag:s8], $0x4000  }
0x41: {  	[sflag:s8] =	ssyncset.done @p0 $0x0  }
0x42: {  	[sflag:s8] =	ssyncadd.s32 @p0 $0xFFFFC000;
	s8 =	simm.s32 @p0 $0x400  }
0x43: {  	[tilespmem:s8], [sflag:$0x5] =	stream.linear.gather @p0 [hbm4b:s15+s2], $0x400, $0x38;
	[tilespmem:$0x1C800] =	vst v63  }
0x44: {  	_ =	swait.ge @p0 [sflag:s6], $0x400  }
0x45: {  	s8 =	sshll.u32 @!p0 s0, $0x8;
	s0 =	simm.s32 @!p0 $0x4;
	[sflag:s6] =	ssyncset.done @p0 $0x0  }
0x46: {  	s2 =	simm.s32 @!p0 $0x80;
	[sflag:s6] =	ssyncadd.s32 @p0 $0xFFFFFC00;
	s6 =	simm.s32 @!p0 $0x800  }
0x47: {  	[tilespmem:s6], [sflag:$0x1] =	stream.indirect.gather @!p0 [hbm4b:s4+s2], $0x80, s8, s2, $0xb8;
	[tilespmem:$0x1C800] =	vst v63  }
0x48: {  	_ =	swait.ge @!p0 [sflag:s0], $0x4000  }
0x49: {  	s8 =	simm.s32 @p0 $0x0;
	[sflag:s0] =	ssyncset.done @!p0 $0x0  }
0x4a: {  	s12 =	sor.u32 $0x400, s8;
	[sflag:s0] =	ssyncadd.s32 @!p0 $0xFFFFC000  }
0x4b: {  	[tilespmem:s23], [sflag:$0x2] =	stream.indirect.gather [hbm4b:s4+s20], $0x80, s12, s20, $0xb8;
	[tilespmem:$0x1C800] =	vst v63  }
0x4c: {  	_ =	swait.ge [sflag:s28], $0x4000  }
0x4d: {  	[sflag:s28] =	ssyncset.done $0x0  }
0x4e: {  	s13 =	sor.u32 $0x80, s8;
	[sflag:s28] =	ssyncadd.s32 $0xFFFFC000  }
0x4f: {  	[spmem:s1] =	stream.indirect.scatter.add.f32 [tilespmem:s21], [sflag:$0x3], $0x80, s13, s20, $0xb8;
	[tilespmem:$0x1C800] =	vst v63  }
0x50: {  	_ =	swait.ge [sflag:s24], $0x4000  }
0x51: {  	s2 =	sadd.s32 $0x20, s16;
	s6 =	sadd.s32 $0x20, s15;
	[sflag:s24] =	ssyncset.done $0x0  }
0x52: {  	s8 =	sor.u32 $0x480, s8;
	s0 =	simm.s32 $0x2;
	[sflag:s24] =	ssyncadd.s32 $0xFFFFC000  }
.LBB2_2:
0x53: {  	[spmem:s1] =	stream.indirect.scatter.add.f32 [tilespmem:s23], [sflag:$0x4], $0x80, s8, s20, $0xb8;
	[tilespmem:$0x1C800] =	vst v63  }
0x54: {  	s8 =	sand.u32 $0x3, s0;
	s0 =	sadd.s32 $0x1, s0;
	_ =	swait.ge [sflag:s26], $0x4000  }
0x55: {  	p1 =	seq.s32 s8, $0x0;
	p0 =	sne.s32 s0, $0x50;
	[sflag:s26] =	ssyncset.done $0x0  }
0x56: {  	s9 =	simm.s32 @p1 $0x0;
	s10 =	simm.s32 @p1 $0x5;
	[sflag:s26] =	ssyncadd.s32 $0xFFFFC000  }
0x57: {  	[tilespmem:s9], [sflag:$0x5] =	stream.linear.gather @p1 [hbm4b:s2+s9], $0x400, $0x38;
	[tilespmem:$0x1C800] =	vst v63  }
0x58: {  	s8 =	sshll.u32 @!p1 s8, $0x8;
	_ =	swait.ge @p1 [sflag:s10], $0x400  }
0x59: {  	s11 =	simm.s32 @p1 $0x4;
	[sflag:s10] =	ssyncset.done @p1 $0x0  }
0x5a: {  	s12 =	simm.s32 @p1 $0x80;
	s13 =	simm.s32 @p1 $0x800;
	[sflag:s10] =	ssyncadd.s32 @p1 $0xFFFFFC00  }
0x5b: {  	[tilespmem:s13], [sflag:$0x1] =	stream.indirect.gather @p1 [hbm4b:s4+s12], $0x80, s9, s12, $0xb8;
	[tilespmem:$0x1C800] =	vst v63  }
0x5c: {  	_ =	swait.ge @p1 [sflag:s11], $0x4000  }
0x5d: {  	[sflag:s11] =	ssyncset.done @p1 $0x0  }
0x5e: {  	[sflag:s11] =	ssyncadd.s32 @p1 $0xFFFFC000;
	s11 =	simm.s32 @p1 $0x400  }
0x5f: {  	[tilespmem:s11], [sflag:$0x5] =	stream.linear.gather @p1 [hbm4b:s6+s9], $0x400, $0x38;
	[tilespmem:$0x1C800] =	vst v63  }
0x60: {  	_ =	swait.ge @p1 [sflag:s10], $0x400  }
0x61: {  	s9 =	simm.s32 @!p1 $0x4;
	[sflag:s10] =	ssyncset.done @p1 $0x0  }
0x62: {  	s11 =	simm.s32 @!p1 $0x800;
	[sflag:s10] =	ssyncadd.s32 @p1 $0xFFFFFC00;
	s10 =	simm.s32 @!p1 $0x80  }
0x63: {  	[tilespmem:s11], [sflag:$0x1] =	stream.indirect.gather @!p1 [hbm4b:s4+s10], $0x80, s8, s10, $0xb8;
	[tilespmem:$0x1C800] =	vst v63  }
0x64: {  	_ =	swait.ge @!p1 [sflag:s9], $0x4000  }
0x65: {  	s8 =	simm.s32 @p1 $0x0;
	[sflag:s9] =	ssyncset.done @!p1 $0x0  }
0x66: {  	[sflag:s9] =	ssyncadd.s32 @!p1 $0xFFFFC000;
	s9 =	sor.u32 $0x400, s8  }
0x67: {  	[tilespmem:s23], [sflag:$0x2] =	stream.indirect.gather [hbm4b:s4+s20], $0x80, s9, s20, $0xb8;
	[tilespmem:$0x1C800] =	vst v63  }
0x68: {  	_ =	swait.ge [sflag:s28], $0x4000  }
0x69: {  	[sflag:s28] =	ssyncset.done $0x0  }
.Ltmp0:
0x6a: {  	s9 =	sor.u32 $0x80, s8;
	[sflag:s28] =	ssyncadd.s32 $0xFFFFC000;
	(pc) =	sbr.rel @p0 .LBB2_2-.Ltmp0, $4  }
0x6b: {  	[spmem:s1] =	stream.indirect.scatter.add.f32 [tilespmem:s21], [sflag:$0x3], $0x80, s9, s20, $0xb8;
	[tilespmem:$0x1C800] =	vst v63  }
0x6c: {  	_ =	swait.ge [sflag:s24], $0x4000  }
0x6d: {  	s2 =	sadd.s32 $0x20, s2;
	[sflag:s24] =	ssyncset.done $0x0  }
0x6e: {  	s6 =	sadd.s32 $0x20, s6;
	s8 =	sor.u32 $0x480, s8;
	[sflag:s24] =	ssyncadd.s32 $0xFFFFC000  }
0x6f: {  	[spmem:s1] =	stream.indirect.scatter.add.f32 [tilespmem:s23], [sflag:$0x4], $0x80, s8, s20, $0xb8;
	[tilespmem:$0x1C800] =	vst v63  }
0x70: {  	_ =	swait.ge [sflag:s26], $0x4000  }
0x71: {  	[sflag:s26] =	ssyncset.done $0x0  }
0x72: {  	[sflag:s26] =	ssyncadd.s32 $0xFFFFC000  }
0x73: {  	_ =	swait.ge [sflag:s29], $0x4000  }
0x74: {  	[sflag:s29] =	ssyncset.done $0x0  }
0x75: {  	[sflag:s29] =	ssyncadd.s32 $0xFFFFC000  }
0x76: {  	[bflag:$0x0] =	sbarrier.arrive $0xFFFF  }
0x77: {  	s0 =	rddreg [dreg:$0x4]  }
0x78: {  	[hbm:s0], [sflag:s7] =	dma.local [spmem:s31], $0x2800  }
0x79: {  	_ =	swait.ge [sflag:s19], $0x2800  }
0x7a: {  	[sflag:s19] =	ssyncset.done $0x0  }
0x7b: {  	[sflag:s19] =	ssyncadd.s32 $0xFFFFD800  }
0x7c: {  	[spmem:s31], [sflag:s7] =	dma.local [hbm:s5], $0x2800  }
0x7d: {  	_ =	swait.ge [sflag:s19], $0x2800  }
0x7e: {  	[sflag:s19] =	ssyncset.done $0x0  }
0x7f: {  	[sflag:s19] =	ssyncadd.s32 $0xFFFFD800  }
0x80: {  	[bflag:$0x0] =	sbarrier.arrive $0xFFFF  }
0x81: {  	s10 =	rddreg [dreg:$0x9]  }
0x82: {  	[tilespmem:s3], [sflag:$0x5] =	stream.linear.gather [hbm4b:s10+s3], $0x400, $0x38;
	[tilespmem:$0x1C800] =	vst v63  }
0x83: {  	_ =	swait.ge [sflag:s19], $0x400  }
0x84: {  	[sflag:s19] =	ssyncset.done $0x0  }
0x85: {  	[sflag:s19] =	ssyncadd.s32 $0xFFFFFC00  }
0x86: {  	[tilespmem:s21], [sflag:$0x1] =	stream.indirect.gather [hbm4b:s4+s20], $0x80, s3, s20, $0xb8;
	[tilespmem:$0x1C800] =	vst v63  }
0x87: {  	_ = 	snop  }
0x88: {  	[tilespmem:s22], [sflag:$0x5] =	stream.linear.gather [hbm4b:s14+s3], $0x400, $0x38;
	[tilespmem:$0x1C800] =	vst v63  }
0x89: {  	_ =	swait.ge [sflag:s19], $0x400  }
0x8a: {  	[sflag:s19] =	ssyncset.done $0x0  }
0x8b: {  	s11 =	simm.s32 $0x1;
	[sflag:s19] =	ssyncadd.s32 $0xFFFFFC00  }
0x8c: {  	[tilespmem:s23], [sflag:$0x2] =	stream.indirect.gather [hbm4b:s4+s20], $0x80, s22, s20, $0xb8;
	[tilespmem:$0x1C800] =	vst v63  }
0x8d: {  	_ =	swait.ge [sflag:s11], $0x4000  }
0x8e: {  	[sflag:s11] =	ssyncset.done $0x0  }
0x8f: {  	[sflag:s11] =	ssyncadd.s32 $0xFFFFC000  }
0x90: {  	[spmem:s1] =	stream.indirect.scatter.add.f32 [tilespmem:s21], [sflag:$0x3], $0x80, s20, s20, $0xb8;
	[tilespmem:$0x1C800] =	vst v63  }
0x91: {  	_ =	swait.ge [sflag:s24], $0x4000  }
0x92: {  	[sflag:s24] =	ssyncset.done $0x0  }
0x93: {  	[sflag:s24] =	ssyncadd.s32 $0xFFFFC000  }
0x94: {  	[spmem:s1] =	stream.indirect.scatter.add.f32 [tilespmem:s23], [sflag:$0x4], $0x80, s25, s20, $0xb8;
	[tilespmem:$0x1C800] =	vst v63  }
0x95: {  	s0 =	sand.u32 $0x3, s11;
	_ =	swait.ge [sflag:s26], $0x4000  }
0x96: {  	p0 =	seq.s32 s0, $0x0;
	[sflag:s26] =	ssyncset.done $0x0  }
0x97: {  	s2 =	simm.s32 @p0 $0x0;
	s6 =	simm.s32 @p0 $0x5;
	[sflag:s26] =	ssyncadd.s32 $0xFFFFC000  }
0x98: {  	[tilespmem:s2], [sflag:$0x5] =	stream.linear.gather @p0 [hbm4b:s18+s2], $0x400, $0x38;
	[tilespmem:$0x1C800] =	vst v63  }
0x99: {  	_ =	swait.ge @p0 [sflag:s6], $0x400  }
0x9a: {  	[sflag:s6] =	ssyncset.done @p0 $0x0  }
0x9b: {  	s8 =	simm.s32 @p0 $0x80;
	s9 =	simm.s32 @p0 $0x800;
	[sflag:s6] =	ssyncadd.s32 @p0 $0xFFFFFC00  }
0x9c: {  	[tilespmem:s9], [sflag:$0x1] =	stream.indirect.gather @p0 [hbm4b:s4+s8], $0x80, s2, s8, $0xb8;
	[tilespmem:$0x1C800] =	vst v63  }
0x9d: {  	s8 =	simm.s32 @p0 $0x4  }
0x9e: {  	_ =	swait.ge @p0 [sflag:s8], $0x4000  }
0x9f: {  	[sflag:s8] =	ssyncset.done @p0 $0x0  }
0xa0: {  	[sflag:s8] =	ssyncadd.s32 @p0 $0xFFFFC000;
	s8 =	simm.s32 @p0 $0x400  }
0xa1: {  	[tilespmem:s8], [sflag:$0x5] =	stream.linear.gather @p0 [hbm4b:s17+s2], $0x400, $0x38;
	[tilespmem:$0x1C800] =	vst v63  }
0xa2: {  	_ =	swait.ge @p0 [sflag:s6], $0x400  }
0xa3: {  	s8 =	sshll.u32 @!p0 s0, $0x8;
	s0 =	simm.s32 @!p0 $0x4;
	[sflag:s6] =	ssyncset.done @p0 $0x0  }
0xa4: {  	s2 =	simm.s32 @!p0 $0x80;
	[sflag:s6] =	ssyncadd.s32 @p0 $0xFFFFFC00;
	s6 =	simm.s32 @!p0 $0x800  }
0xa5: {  	[tilespmem:s6], [sflag:$0x1] =	stream.indirect.gather @!p0 [hbm4b:s4+s2], $0x80, s8, s2, $0xb8;
	[tilespmem:$0x1C800] =	vst v63  }
0xa6: {  	_ =	swait.ge @!p0 [sflag:s0], $0x4000  }
0xa7: {  	s8 =	simm.s32 @p0 $0x0;
	[sflag:s0] =	ssyncset.done @!p0 $0x0  }
0xa8: {  	s12 =	sor.u32 $0x400, s8;
	[sflag:s0] =	ssyncadd.s32 @!p0 $0xFFFFC000  }
0xa9: {  	[tilespmem:s23], [sflag:$0x2] =	stream.indirect.gather [hbm4b:s4+s20], $0x80, s12, s20, $0xb8;
	[tilespmem:$0x1C800] =	vst v63  }
0xaa: {  	_ =	swait.ge [sflag:s28], $0x4000  }
0xab: {  	[sflag:s28] =	ssyncset.done $0x0  }
0xac: {  	s13 =	sor.u32 $0x80, s8;
	[sflag:s28] =	ssyncadd.s32 $0xFFFFC000  }
0xad: {  	[spmem:s1] =	stream.indirect.scatter.add.f32 [tilespmem:s21], [sflag:$0x3], $0x80, s13, s20, $0xb8;
	[tilespmem:$0x1C800] =	vst v63  }
0xae: {  	_ =	swait.ge [sflag:s24], $0x4000  }
0xaf: {  	s2 =	sadd.s32 $0x20, s18;
	s6 =	sadd.s32 $0x20, s17;
	[sflag:s24] =	ssyncset.done $0x0  }
0xb0: {  	s8 =	sor.u32 $0x480, s8;
	s0 =	simm.s32 $0x2;
	[sflag:s24] =	ssyncadd.s32 $0xFFFFC000  }
.LBB2_4:
0xb1: {  	[spmem:s1] =	stream.indirect.scatter.add.f32 [tilespmem:s23], [sflag:$0x4], $0x80, s8, s20, $0xb8;
	[tilespmem:$0x1C800] =	vst v63  }
0xb2: {  	s8 =	sand.u32 $0x3, s0;
	s0 =	sadd.s32 $0x1, s0;
	_ =	swait.ge [sflag:s26], $0x4000  }
0xb3: {  	p1 =	seq.s32 s8, $0x0;
	p0 =	sne.s32 s0, $0x50;
	[sflag:s26] =	ssyncset.done $0x0  }
0xb4: {  	s9 =	simm.s32 @p1 $0x0;
	s10 =	simm.s32 @p1 $0x5;
	[sflag:s26] =	ssyncadd.s32 $0xFFFFC000  }
0xb5: {  	[tilespmem:s9], [sflag:$0x5] =	stream.linear.gather @p1 [hbm4b:s2+s9], $0x400, $0x38;
	[tilespmem:$0x1C800] =	vst v63  }
0xb6: {  	s8 =	sshll.u32 @!p1 s8, $0x8;
	_ =	swait.ge @p1 [sflag:s10], $0x400  }
0xb7: {  	s11 =	simm.s32 @p1 $0x4;
	[sflag:s10] =	ssyncset.done @p1 $0x0  }
0xb8: {  	s12 =	simm.s32 @p1 $0x80;
	s13 =	simm.s32 @p1 $0x800;
	[sflag:s10] =	ssyncadd.s32 @p1 $0xFFFFFC00  }
0xb9: {  	[tilespmem:s13], [sflag:$0x1] =	stream.indirect.gather @p1 [hbm4b:s4+s12], $0x80, s9, s12, $0xb8;
	[tilespmem:$0x1C800] =	vst v63  }
0xba: {  	_ =	swait.ge @p1 [sflag:s11], $0x4000  }
0xbb: {  	[sflag:s11] =	ssyncset.done @p1 $0x0  }
0xbc: {  	[sflag:s11] =	ssyncadd.s32 @p1 $0xFFFFC000;
	s11 =	simm.s32 @p1 $0x400  }
0xbd: {  	[tilespmem:s11], [sflag:$0x5] =	stream.linear.gather @p1 [hbm4b:s6+s9], $0x400, $0x38;
	[tilespmem:$0x1C800] =	vst v63  }
0xbe: {  	_ =	swait.ge @p1 [sflag:s10], $0x400  }
0xbf: {  	s9 =	simm.s32 @!p1 $0x4;
	[sflag:s10] =	ssyncset.done @p1 $0x0  }
0xc0: {  	s11 =	simm.s32 @!p1 $0x800;
	[sflag:s10] =	ssyncadd.s32 @p1 $0xFFFFFC00;
	s10 =	simm.s32 @!p1 $0x80  }
0xc1: {  	[tilespmem:s11], [sflag:$0x1] =	stream.indirect.gather @!p1 [hbm4b:s4+s10], $0x80, s8, s10, $0xb8;
	[tilespmem:$0x1C800] =	vst v63  }
0xc2: {  	_ =	swait.ge @!p1 [sflag:s9], $0x4000  }
0xc3: {  	s8 =	simm.s32 @p1 $0x0;
	[sflag:s9] =	ssyncset.done @!p1 $0x0  }
0xc4: {  	[sflag:s9] =	ssyncadd.s32 @!p1 $0xFFFFC000;
	s9 =	sor.u32 $0x400, s8  }
0xc5: {  	[tilespmem:s23], [sflag:$0x2] =	stream.indirect.gather [hbm4b:s4+s20], $0x80, s9, s20, $0xb8;
	[tilespmem:$0x1C800] =	vst v63  }
0xc6: {  	_ =	swait.ge [sflag:s28], $0x4000  }
0xc7: {  	[sflag:s28] =	ssyncset.done $0x0  }
.Ltmp1:
0xc8: {  	s9 =	sor.u32 $0x80, s8;
	[sflag:s28] =	ssyncadd.s32 $0xFFFFC000;
	(pc) =	sbr.rel @p0 .LBB2_4-.Ltmp1, $4  }
0xc9: {  	[spmem:s1] =	stream.indirect.scatter.add.f32 [tilespmem:s21], [sflag:$0x3], $0x80, s9, s20, $0xb8;
	[tilespmem:$0x1C800] =	vst v63  }
0xca: {  	_ =	swait.ge [sflag:s24], $0x4000  }
0xcb: {  	s2 =	sadd.s32 $0x20, s2;
	[sflag:s24] =	ssyncset.done $0x0  }
0xcc: {  	s6 =	sadd.s32 $0x20, s6;
	s8 =	sor.u32 $0x480, s8;
	[sflag:s24] =	ssyncadd.s32 $0xFFFFC000  }
0xcd: {  	[spmem:s1] =	stream.indirect.scatter.add.f32 [tilespmem:s23], [sflag:$0x4], $0x80, s8, s20, $0xb8;
	[tilespmem:$0x1C800] =	vst v63  }
0xce: {  	_ =	swait.ge [sflag:s26], $0x4000  }
0xcf: {  	[sflag:s26] =	ssyncset.done $0x0  }
0xd0: {  	[sflag:s26] =	ssyncadd.s32 $0xFFFFC000  }
0xd1: {  	_ =	swait.ge [sflag:s29], $0x4000  }
0xd2: {  	[sflag:s29] =	ssyncset.done $0x0  }
0xd3: {  	[sflag:s29] =	ssyncadd.s32 $0xFFFFC000  }
0xd4: {  	[bflag:$0x0] =	sbarrier.arrive $0xFFFF  }
0xd5: {  	s0 =	rddreg [dreg:$0x5]  }
0xd6: {  	[hbm:s0], [sflag:s7] =	dma.local [spmem:s31], $0x2800  }
0xd7: {  	_ =	swait.ge [sflag:s19], $0x2800  }
0xd8: {  	s30 =	sadd.s32 $0x1, s30;
	s31 =	rddreg [dreg:$0x6]  }
0xd9: {  	p0 =	sne.s32 s30, s31  }
.Ltmp2:
0xda: {  	_ = 	snop;
	(pc) =	sbr.rel @p0 .LBB2_1-.Ltmp2, $3  }
0xdb: {  	_ =	sdelay $0x1  }
0xdc: {  	[sflag:s19] =	ssyncset.done $0x0  }
0xdd: {  	[sflag:s19] =	ssyncadd.s32 $0xFFFFD800  }
0xde: {  	_ =	sfence.sel $0x180000  }
0xdf: {  	[bflag:$0x0] =	sbarrier.arrive $0xFFFF  }
0xe0: {  	_ =	strace $0x90000047  }
0xe1: {  	s0 =	stileid.u32;
	[bflag:$0x2] =	sbarrier.arrive $0xFFFF  }
0xe2: {  	p0 =	sne.s32 s0, $0x0;
	s0 =	rddreg [dreg:$0x2]  }
0xe3: {  	s0 =	sadd.s32 @!p0 $0x100000, s0  }
0xe4: {  	[sflag:s0] =	ssyncadd.tile.s32 @!p0 $0x1;
	_ =	shalt  }
.Lfunc_end2:
_tile_overlayer_lowered:
.L_overlay_start_2:
0xe5: {  	(tag) =	ssettag $0x2  }
0xe6: {  	s0 =	rddreg [dreg:$0x0];
	s2 =	stileid.u32  }
0xe7: {  	s1 =	rddreg [dreg:$0x1];
	p0 =	sne.s32 s2, $0x0  }
0xe8: {  	s3 =	rddreg [dreg:$0x2];
	[bflag:$0x3] =	sbarrier.arrive $0xFFFF;
	s2 =	simm.s32 @!p0 $0x1C05  }
0xe9: {  	[timem:s3], [sflag:s2] =	dma.local @!p0 [hbm:s0], s1  }
0xea: {  	s0 =	simm.s32 @!p0 $0x5  }
0xeb: {  	_ =	swait.ge @!p0 [sflag:s0], s1  }
0xec: {  	s1 =	ssub.s32 @!p0 $0x0, s1;
	[sflag:s0] =	ssyncset.done @!p0 $0x0  }
0xed: {  	[sflag:s0] =	ssyncadd.s32 @!p0 s1  }
0xee: {  	[bflag:$0x3] =	sbarrier.arrive $0xFFFF  }
0xef: {  	_ =	shalt  }

</sc_bundles>
